<compile_context>
chip_gen: v7x
topology: tpu7x:2x2x1
jax: 0.10.2.dev20260603
libtpu: 0.0.44.dev20260713+nightly
codegen_flags: <defaults>
</compile_context>

<pallas_src>
import functools

import jax
import jax.numpy as jnp
from jax import lax
from jax.experimental import pallas as pl
from jax.experimental.pallas import tpu as pltpu
from jax.experimental.pallas import tpu_sc as plsc

_NUM_CORES = 2
_NUM_SUBCORES = 16
_NW = _NUM_CORES * _NUM_SUBCORES
_CHUNK = 200
_NBUF = 4
_DEPTH = 3


def _gather_flat(indices_2d, table):
    n_rows, C = indices_2d.shape
    D = table.shape[1]
    B = n_rows * C
    assert n_rows % _NW == 0
    n_chunks = n_rows // _NW
    b_per_w = n_chunks * C
    assert (n_chunks - (_NBUF - _DEPTH) - _DEPTH) % _NBUF == 0

    mesh = plsc.VectorSubcoreMesh(core_axis_name="c", subcore_axis_name="s")

    @functools.partial(
        pl.kernel,
        mesh=mesh,
        out_type=jax.ShapeDtypeStruct((B, D), jnp.float32),
        scratch_types=[
            pltpu.VMEM((n_chunks, C), jnp.int32),
            pltpu.VMEM((_NBUF, C, D), jnp.float32),
        ] + [pltpu.SemaphoreType.DMA] * _NBUF,
        compiler_params=pltpu.CompilerParams(use_tc_tiling_on_sc=False),
    )
    def k(idx_hbm, table_hbm, out_hbm, idx_v, rows_v, *sems):
        wid = lax.axis_index("s") * _NUM_CORES + lax.axis_index("c")
        base = wid * b_per_w

        pltpu.sync_copy(idx_hbm.at[pl.ds(wid * n_chunks, n_chunks)], idx_v)

        def start_gather(i, b):
            pltpu.async_copy(table_hbm.at[idx_v.at[i]], rows_v.at[b], sems[b])

        def wait_gather(i, b):
            pltpu.make_async_copy(
                table_hbm.at[idx_v.at[i]], rows_v.at[b], sems[b]
            ).wait()

        def start_store(i, b):
            pltpu.async_copy(
                rows_v.at[b], out_hbm.at[pl.ds(base + i * C, C)], sems[b]
            )

        def wait_store(i, b):
            pltpu.make_async_copy(
                rows_v.at[b], out_hbm.at[pl.ds(base + i * C, C)], sems[b]
            ).wait()

        for i in range(_DEPTH):
            start_gather(i, i)

        for i in range(_NBUF - _DEPTH):
            wait_gather(i, i)
            start_store(i, i)
            start_gather(i + _DEPTH, (i + _DEPTH) % _NBUF)

        lo = _NBUF - _DEPTH

        def body(j, carry):
            for u in range(_NBUF):
                i = lo + j * _NBUF + u
                b = (lo + u) % _NBUF
                bg = (lo + u + _DEPTH) % _NBUF
                wait_gather(i, b)
                start_store(i, b)
                wait_store(i + _DEPTH - _NBUF, bg)
                start_gather(i + _DEPTH, bg)
            return carry

        n_steady = (n_chunks - lo - _DEPTH) // _NBUF
        lax.fori_loop(0, n_steady, body, 0)

        for u in range(_DEPTH):
            i = n_chunks - _DEPTH + u
            wait_gather(i, i % _NBUF)
            start_store(i, i % _NBUF)

        for u in range(_NBUF):
            i = n_chunks - _NBUF + u
            wait_store(i, i % _NBUF)

    return k(indices_2d, table)


def kernel(indices, table):
    return _gather_flat(indices.astype(jnp.int32), table)

# --- scband reference (transcript-rebuilt; emitter-appended) ---
"""Pipeline reference for scband-model-embeddings-24197845745839 (READ-ONLY COPY).

The authoritative reference and input builder live on the scoring server;
editing this copy changes nothing except your own understanding.
"""

import jax, jax.numpy as jnp
import numpy as np

VOCAB = 1000000
EMBED = 64
PAD = 0

def setup_inputs(seed: int = 0) -> dict:
    key = jax.random.key(seed)
    k1, k2 = jax.random.split(key)
    indices = jax.random.randint(k1, (4096, 200), 0, VOCAB, dtype=jnp.int64) if jax.config.jax_enable_x64 else jax.random.randint(k1, (4096, 200), 0, VOCAB, dtype=jnp.int32)
    table = jax.random.normal(k2, (VOCAB, EMBED), dtype=jnp.float32)
    # PyTorch nn.Embedding with padding_idx zero-initializes the padding row
    table = table.at[PAD].set(0.0)
    return {"indices": indices, "table": table}

def reference(indices, table):
    # nn.Embedding forward: gather rows of the table by index
    return jnp.take(table, indices, axis=0)

if __name__ == "__main__":
    import jax
    _d = setup_inputs()
    print(jax.jit(kernel)(*tuple(_d.values())))

</pallas_src>

<mosaic_0001>
#map = affine_map<(d0, d1) -> (0, 0)>
module attributes {stable_mosaic.version = 14 : i64} {
  func.func @k(%arg0: i32, %arg1: i32, %arg2: memref<4096x200xi32, #tpu.memory_space<hbm>>, %arg3: memref<1000000x64xf32, #tpu.memory_space<hbm>>, %arg4: memref<819200x64xf32, #tpu.memory_space<hbm>>, %arg5: memref<128x200xi32, #tpu.memory_space<vmem>>, %arg6: memref<4x200x64xf32, #tpu.memory_space<vmem>>, %arg7: memref<!tpu.dma_semaphore, #tpu.memory_space<semaphore_mem>>, %arg8: memref<!tpu.dma_semaphore, #tpu.memory_space<semaphore_mem>>, %arg9: memref<!tpu.dma_semaphore, #tpu.memory_space<semaphore_mem>>, %arg10: memref<!tpu.dma_semaphore, #tpu.memory_space<semaphore_mem>>) attributes {dimension_semantics = [#tpu.dimension_semantics<core_parallel>, #tpu.dimension_semantics<subcore_parallel>], iteration_bounds = array<i64: 2, 16>, scalar_prefetch = 0 : i64, scratch_operands = 6 : i64, tpu.core_type = #tpu.core_type<sc_vector_subcore>, window_params = [{transform_indices = #map}, {transform_indices = #map}, {transform_indices = #map}]} {
    %mul3A = arith.constant 2 : i32
    %mul3A_0 = arith.muli %arg1, %mul3A : i32
    %add3A = arith.addi %mul3A_0, %arg0 : i32
    %mul3A_1 = arith.constant 25600 : i32
    %mul3A_2 = arith.muli %add3A, %mul3A_1 : i32
    %mul3A_3 = arith.constant 128 : i32
    %mul3A_4 = arith.muli %add3A, %mul3A_3 : i32
    "tpu.region"() ({
      %run_scoped3A = tpu.sem_alloc : memref<!tpu.dma_semaphore, #tpu.memory_space<semaphore_mem>>
      %dma_start3A_224 = arith.constant 0 : i32
      %dma_start3A_225 = tpu.memref_slice %arg2[%mul3A_4, %dma_start3A_224] : memref<4096x200xi32, #tpu.memory_space<hbm>> -> memref<128x200xi32, #tpu.memory_space<hbm>>
      %dma_start3A_226 = arith.constant 0 : i32
      %dma_start3A_227 = tpu.memref_slice %arg2[%mul3A_4, %dma_start3A_226] : memref<4096x200xi32, #tpu.memory_space<hbm>> -> memref<128x200xi32, #tpu.memory_space<hbm>>
      tpu.enqueue_dma source(%dma_start3A_227 : memref<128x200xi32, #tpu.memory_space<hbm>>) target(%arg5 : memref<128x200xi32, #tpu.memory_space<vmem>>) target_semaphore(%run_scoped3A : memref<!tpu.dma_semaphore, #tpu.memory_space<semaphore_mem>>)
      %dma_wait3A_228 = arith.constant 0 : i32
      %dma_wait3A_229 = tpu.memref_slice %arg2[%mul3A_4, %dma_wait3A_228] : memref<4096x200xi32, #tpu.memory_space<hbm>> -> memref<128x200xi32, #tpu.memory_space<hbm>>
      %dma_wait3A_230 = arith.constant 0 : i32
      %dma_wait3A_231 = tpu.memref_slice %arg2[%mul3A_4, %dma_wait3A_230] : memref<4096x200xi32, #tpu.memory_space<hbm>> -> memref<128x200xi32, #tpu.memory_space<hbm>>
      tpu.wait_dma2 semaphore(%run_scoped3A : memref<!tpu.dma_semaphore, #tpu.memory_space<semaphore_mem>>) src(%dma_wait3A_231 : memref<128x200xi32, #tpu.memory_space<hbm>>) dst(%arg5 : memref<128x200xi32, #tpu.memory_space<vmem>>)
      tpu.yield
    }) : () -> ()
    %dma_start3A = arith.constant 0 : i32
    %dma_start3A_5 = arith.constant 0 : i32
    %dma_start3A_6 = arith.constant 0 : i32
    %dma_start3A_7 = arith.constant 0 : i32
    %dma_start3A_8 = tpu.memref_slice %arg6[%dma_start3A_5, %dma_start3A_6, %dma_start3A_7] : memref<4x200x64xf32, #tpu.memory_space<vmem>> -> memref<1x200x64xf32, #tpu.memory_space<vmem>>
    %dma_start3A_9 = tpu.memref_squeeze %dma_start3A_8 : memref<1x200x64xf32, #tpu.memory_space<vmem>> -> memref<200x64xf32, #tpu.memory_space<vmem>>
    %dma_start3A_10 = arith.constant 0 : i32
    %dma_start3A_11 = tpu.memref_slice %arg5[%dma_start3A, %dma_start3A_10] : memref<128x200xi32, #tpu.memory_space<vmem>> -> memref<1x200xi32, #tpu.memory_space<vmem>>
    %dma_start3A_12 = tpu.memref_squeeze %dma_start3A_11 : memref<1x200xi32, #tpu.memory_space<vmem>> -> memref<200xi32, #tpu.memory_space<vmem>>
    %dma_start3A_13 = arith.constant 0 : i32
    %dma_start3A_14 = arith.constant 0 : i32
    %dma_start3A_15 = tpu.memref_slice %arg3[%dma_start3A_13, %dma_start3A_14] : memref<1000000x64xf32, #tpu.memory_space<hbm>> -> memref<1000000x64xf32, #tpu.memory_space<hbm>>
    tpu.enqueue_indirect_dma source(%dma_start3A_15 : memref<1000000x64xf32, #tpu.memory_space<hbm>>) target(%dma_start3A_9 : memref<200x64xf32, #tpu.memory_space<vmem>>) offsets(%dma_start3A_12 : memref<200xi32, #tpu.memory_space<vmem>>) semaphore(%arg7 : memref<!tpu.dma_semaphore, #tpu.memory_space<semaphore_mem>>)
    %dma_start3A_16 = arith.constant 1 : i32
    %dma_start3A_17 = arith.constant 1 : i32
    %dma_start3A_18 = arith.constant 0 : i32
    %dma_start3A_19 = arith.constant 0 : i32
    %dma_start3A_20 = tpu.memref_slice %arg6[%dma_start3A_17, %dma_start3A_18, %dma_start3A_19] : memref<4x200x64xf32, #tpu.memory_space<vmem>> -> memref<1x200x64xf32, #tpu.memory_space<vmem>>
    %dma_start3A_21 = tpu.memref_squeeze %dma_start3A_20 : memref<1x200x64xf32, #tpu.memory_space<vmem>> -> memref<200x64xf32, #tpu.memory_space<vmem>>
    %dma_start3A_22 = arith.constant 0 : i32
    %dma_start3A_23 = tpu.memref_slice %arg5[%dma_start3A_16, %dma_start3A_22] : memref<128x200xi32, #tpu.memory_space<vmem>> -> memref<1x200xi32, #tpu.memory_space<vmem>>
    %dma_start3A_24 = tpu.memref_squeeze %dma_start3A_23 : memref<1x200xi32, #tpu.memory_space<vmem>> -> memref<200xi32, #tpu.memory_space<vmem>>
    %dma_start3A_25 = arith.constant 0 : i32
    %dma_start3A_26 = arith.constant 0 : i32
    %dma_start3A_27 = tpu.memref_slice %arg3[%dma_start3A_25, %dma_start3A_26] : memref<1000000x64xf32, #tpu.memory_space<hbm>> -> memref<1000000x64xf32, #tpu.memory_space<hbm>>
    tpu.enqueue_indirect_dma source(%dma_start3A_27 : memref<1000000x64xf32, #tpu.memory_space<hbm>>) target(%dma_start3A_21 : memref<200x64xf32, #tpu.memory_space<vmem>>) offsets(%dma_start3A_24 : memref<200xi32, #tpu.memory_space<vmem>>) semaphore(%arg8 : memref<!tpu.dma_semaphore, #tpu.memory_space<semaphore_mem>>)
    %dma_start3A_28 = arith.constant 2 : i32
    %dma_start3A_29 = arith.constant 2 : i32
    %dma_start3A_30 = arith.constant 0 : i32
    %dma_start3A_31 = arith.constant 0 : i32
    %dma_start3A_32 = tpu.memref_slice %arg6[%dma_start3A_29, %dma_start3A_30, %dma_start3A_31] : memref<4x200x64xf32, #tpu.memory_space<vmem>> -> memref<1x200x64xf32, #tpu.memory_space<vmem>>
    %dma_start3A_33 = tpu.memref_squeeze %dma_start3A_32 : memref<1x200x64xf32, #tpu.memory_space<vmem>> -> memref<200x64xf32, #tpu.memory_space<vmem>>
    %dma_start3A_34 = arith.constant 0 : i32
    %dma_start3A_35 = tpu.memref_slice %arg5[%dma_start3A_28, %dma_start3A_34] : memref<128x200xi32, #tpu.memory_space<vmem>> -> memref<1x200xi32, #tpu.memory_space<vmem>>
    %dma_start3A_36 = tpu.memref_squeeze %dma_start3A_35 : memref<1x200xi32, #tpu.memory_space<vmem>> -> memref<200xi32, #tpu.memory_space<vmem>>
    %dma_start3A_37 = arith.constant 0 : i32
    %dma_start3A_38 = arith.constant 0 : i32
    %dma_start3A_39 = tpu.memref_slice %arg3[%dma_start3A_37, %dma_start3A_38] : memref<1000000x64xf32, #tpu.memory_space<hbm>> -> memref<1000000x64xf32, #tpu.memory_space<hbm>>
    tpu.enqueue_indirect_dma source(%dma_start3A_39 : memref<1000000x64xf32, #tpu.memory_space<hbm>>) target(%dma_start3A_33 : memref<200x64xf32, #tpu.memory_space<vmem>>) offsets(%dma_start3A_36 : memref<200xi32, #tpu.memory_space<vmem>>) semaphore(%arg9 : memref<!tpu.dma_semaphore, #tpu.memory_space<semaphore_mem>>)
    %dma_wait3A = arith.constant 0 : i32
    %dma_wait3A_40 = arith.constant 0 : i32
    %dma_wait3A_41 = arith.constant 0 : i32
    %dma_wait3A_42 = arith.constant 0 : i32
    %dma_wait3A_43 = tpu.memref_slice %arg6[%dma_wait3A_40, %dma_wait3A_41, %dma_wait3A_42] : memref<4x200x64xf32, #tpu.memory_space<vmem>> -> memref<1x200x64xf32, #tpu.memory_space<vmem>>
    %dma_wait3A_44 = tpu.memref_squeeze %dma_wait3A_43 : memref<1x200x64xf32, #tpu.memory_space<vmem>> -> memref<200x64xf32, #tpu.memory_space<vmem>>
    %dma_wait3A_45 = arith.constant 0 : i32
    %dma_wait3A_46 = tpu.memref_slice %arg5[%dma_wait3A, %dma_wait3A_45] : memref<128x200xi32, #tpu.memory_space<vmem>> -> memref<1x200xi32, #tpu.memory_space<vmem>>
    %dma_wait3A_47 = tpu.memref_squeeze %dma_wait3A_46 : memref<1x200xi32, #tpu.memory_space<vmem>> -> memref<200xi32, #tpu.memory_space<vmem>>
    %dma_wait3A_48 = arith.constant 0 : i32
    %dma_wait3A_49 = arith.constant 0 : i32
    %dma_wait3A_50 = tpu.memref_slice %arg3[%dma_wait3A_48, %dma_wait3A_49] : memref<1000000x64xf32, #tpu.memory_space<hbm>> -> memref<1000000x64xf32, #tpu.memory_space<hbm>>
    tpu.wait_indirect_dma semaphore(%arg7 : memref<!tpu.dma_semaphore, #tpu.memory_space<semaphore_mem>>) src(%dma_wait3A_50 : memref<1000000x64xf32, #tpu.memory_space<hbm>>) dst(%dma_wait3A_44 : memref<200x64xf32, #tpu.memory_space<vmem>>)
    %add3A_51 = arith.constant 0 : i32
    %add3A_52 = arith.addi %mul3A_2, %add3A_51 : i32
    %dma_start3A_53 = arith.constant 0 : i32
    %dma_start3A_54 = arith.constant 0 : i32
    %dma_start3A_55 = arith.constant 0 : i32
    %dma_start3A_56 = tpu.memref_slice %arg6[%dma_start3A_53, %dma_start3A_54, %dma_start3A_55] : memref<4x200x64xf32, #tpu.memory_space<vmem>> -> memref<1x200x64xf32, #tpu.memory_space<vmem>>
    %dma_start3A_57 = tpu.memref_squeeze %dma_start3A_56 : memref<1x200x64xf32, #tpu.memory_space<vmem>> -> memref<200x64xf32, #tpu.memory_space<vmem>>
    %dma_start3A_58 = arith.constant 0 : i32
    %dma_start3A_59 = tpu.memref_slice %arg4[%add3A_52, %dma_start3A_58] : memref<819200x64xf32, #tpu.memory_space<hbm>> -> memref<200x64xf32, #tpu.memory_space<hbm>>
    %dma_start3A_60 = arith.constant 0 : i32
    %dma_start3A_61 = tpu.memref_slice %arg4[%add3A_52, %dma_start3A_60] : memref<819200x64xf32, #tpu.memory_space<hbm>> -> memref<200x64xf32, #tpu.memory_space<hbm>>
    %dma_start3A_62 = arith.constant 0 : i32
    %dma_start3A_63 = arith.constant 0 : i32
    %dma_start3A_64 = tpu.memref_slice %arg6[%dma_start3A_53, %dma_start3A_62, %dma_start3A_63] : memref<4x200x64xf32, #tpu.memory_space<vmem>> -> memref<1x200x64xf32, #tpu.memory_space<vmem>>
    %dma_start3A_65 = tpu.memref_squeeze %dma_start3A_64 : memref<1x200x64xf32, #tpu.memory_space<vmem>> -> memref<200x64xf32, #tpu.memory_space<vmem>>
    tpu.enqueue_dma source(%dma_start3A_65 : memref<200x64xf32, #tpu.memory_space<vmem>>) target(%dma_start3A_61 : memref<200x64xf32, #tpu.memory_space<hbm>>) target_semaphore(%arg7 : memref<!tpu.dma_semaphore, #tpu.memory_space<semaphore_mem>>)
    %dma_start3A_66 = arith.constant 3 : i32
    %dma_start3A_67 = arith.constant 3 : i32
    %dma_start3A_68 = arith.constant 0 : i32
    %dma_start3A_69 = arith.constant 0 : i32
    %dma_start3A_70 = tpu.memref_slice %arg6[%dma_start3A_67, %dma_start3A_68, %dma_start3A_69] : memref<4x200x64xf32, #tpu.memory_space<vmem>> -> memref<1x200x64xf32, #tpu.memory_space<vmem>>
    %dma_start3A_71 = tpu.memref_squeeze %dma_start3A_70 : memref<1x200x64xf32, #tpu.memory_space<vmem>> -> memref<200x64xf32, #tpu.memory_space<vmem>>
    %dma_start3A_72 = arith.constant 0 : i32
    %dma_start3A_73 = tpu.memref_slice %arg5[%dma_start3A_66, %dma_start3A_72] : memref<128x200xi32, #tpu.memory_space<vmem>> -> memref<1x200xi32, #tpu.memory_space<vmem>>
    %dma_start3A_74 = tpu.memref_squeeze %dma_start3A_73 : memref<1x200xi32, #tpu.memory_space<vmem>> -> memref<200xi32, #tpu.memory_space<vmem>>
    %dma_start3A_75 = arith.constant 0 : i32
    %dma_start3A_76 = arith.constant 0 : i32
    %dma_start3A_77 = tpu.memref_slice %arg3[%dma_start3A_75, %dma_start3A_76] : memref<1000000x64xf32, #tpu.memory_space<hbm>> -> memref<1000000x64xf32, #tpu.memory_space<hbm>>
    tpu.enqueue_indirect_dma source(%dma_start3A_77 : memref<1000000x64xf32, #tpu.memory_space<hbm>>) target(%dma_start3A_71 : memref<200x64xf32, #tpu.memory_space<vmem>>) offsets(%dma_start3A_74 : memref<200xi32, #tpu.memory_space<vmem>>) semaphore(%arg10 : memref<!tpu.dma_semaphore, #tpu.memory_space<semaphore_mem>>)
    %scan3A = arith.constant 0 : i32
    %scan3A_78 = arith.constant 0 : i32
    %scan3A_79 = arith.constant 31 : i32
    %scan3A_80 = arith.addi %scan3A_78, %scan3A_79 : i32
    %scan3A_81 = arith.constant 1 : i32
    scf.for %scan3A_224 = %scan3A_78 to %scan3A_80 step %scan3A_81  : i32 {
      %mul3A_225 = arith.constant 4 : i32
      %mul3A_226 = arith.muli %scan3A_224, %mul3A_225 : i32
      %add3A_227 = arith.constant 1 : i32
      %add3A_228 = arith.addi %add3A_227, %mul3A_226 : i32
      %add3A_229 = arith.constant 0 : i32
      %add3A_230 = arith.addi %add3A_228, %add3A_229 : i32
      %dma_wait3A_231 = arith.constant 1 : i32
      %dma_wait3A_232 = arith.constant 0 : i32
      %dma_wait3A_233 = arith.constant 0 : i32
      %dma_wait3A_234 = tpu.memref_slice %arg6[%dma_wait3A_231, %dma_wait3A_232, %dma_wait3A_233] : memref<4x200x64xf32, #tpu.memory_space<vmem>> -> memref<1x200x64xf32, #tpu.memory_space<vmem>>
      %dma_wait3A_235 = tpu.memref_squeeze %dma_wait3A_234 : memref<1x200x64xf32, #tpu.memory_space<vmem>> -> memref<200x64xf32, #tpu.memory_space<vmem>>
      %dma_wait3A_236 = arith.constant 0 : i32
      %dma_wait3A_237 = tpu.memref_slice %arg5[%add3A_230, %dma_wait3A_236] : memref<128x200xi32, #tpu.memory_space<vmem>> -> memref<1x200xi32, #tpu.memory_space<vmem>>
      %dma_wait3A_238 = tpu.memref_squeeze %dma_wait3A_237 : memref<1x200xi32, #tpu.memory_space<vmem>> -> memref<200xi32, #tpu.memory_space<vmem>>
      %dma_wait3A_239 = arith.constant 0 : i32
      %dma_wait3A_240 = arith.constant 0 : i32
      %dma_wait3A_241 = tpu.memref_slice %arg3[%dma_wait3A_239, %dma_wait3A_240] : memref<1000000x64xf32, #tpu.memory_space<hbm>> -> memref<1000000x64xf32, #tpu.memory_space<hbm>>
      tpu.wait_indirect_dma semaphore(%arg8 : memref<!tpu.dma_semaphore, #tpu.memory_space<semaphore_mem>>) src(%dma_wait3A_241 : memref<1000000x64xf32, #tpu.memory_space<hbm>>) dst(%dma_wait3A_235 : memref<200x64xf32, #tpu.memory_space<vmem>>)
      %mul3A_242 = arith.constant 200 : i32
      %mul3A_243 = arith.muli %add3A_230, %mul3A_242 : i32
      %add3A_244 = arith.addi %mul3A_2, %mul3A_243 : i32
      %dma_start3A_245 = arith.constant 1 : i32
      %dma_start3A_246 = arith.constant 0 : i32
      %dma_start3A_247 = arith.constant 0 : i32
      %dma_start3A_248 = tpu.memref_slice %arg6[%dma_start3A_245, %dma_start3A_246, %dma_start3A_247] : memref<4x200x64xf32, #tpu.memory_space<vmem>> -> memref<1x200x64xf32, #tpu.memory_space<vmem>>
      %dma_start3A_249 = tpu.memref_squeeze %dma_start3A_248 : memref<1x200x64xf32, #tpu.memory_space<vmem>> -> memref<200x64xf32, #tpu.memory_space<vmem>>
      %dma_start3A_250 = arith.constant 0 : i32
      %dma_start3A_251 = tpu.memref_slice %arg4[%add3A_244, %dma_start3A_250] : memref<819200x64xf32, #tpu.memory_space<hbm>> -> memref<200x64xf32, #tpu.memory_space<hbm>>
      %dma_start3A_252 = arith.constant 0 : i32
      %dma_start3A_253 = tpu.memref_slice %arg4[%add3A_244, %dma_start3A_252] : memref<819200x64xf32, #tpu.memory_space<hbm>> -> memref<200x64xf32, #tpu.memory_space<hbm>>
      %dma_start3A_254 = arith.constant 0 : i32
      %dma_start3A_255 = arith.constant 0 : i32
      %dma_start3A_256 = tpu.memref_slice %arg6[%dma_start3A_245, %dma_start3A_254, %dma_start3A_255] : memref<4x200x64xf32, #tpu.memory_space<vmem>> -> memref<1x200x64xf32, #tpu.memory_space<vmem>>
      %dma_start3A_257 = tpu.memref_squeeze %dma_start3A_256 : memref<1x200x64xf32, #tpu.memory_space<vmem>> -> memref<200x64xf32, #tpu.memory_space<vmem>>
      tpu.enqueue_dma source(%dma_start3A_257 : memref<200x64xf32, #tpu.memory_space<vmem>>) target(%dma_start3A_253 : memref<200x64xf32, #tpu.memory_space<hbm>>) target_semaphore(%arg8 : memref<!tpu.dma_semaphore, #tpu.memory_space<semaphore_mem>>)
      %add3A_258 = arith.constant 3 : i32
      %add3A_259 = arith.addi %add3A_230, %add3A_258 : i32
      %sub3A = arith.constant 4 : i32
      %sub3A_260 = arith.subi %add3A_259, %sub3A : i32
      %mul3A_261 = arith.constant 200 : i32
      %mul3A_262 = arith.muli %sub3A_260, %mul3A_261 : i32
      %add3A_263 = arith.addi %mul3A_2, %mul3A_262 : i32
      %dma_wait3A_264 = arith.constant 0 : i32
      %dma_wait3A_265 = arith.constant 0 : i32
      %dma_wait3A_266 = arith.constant 0 : i32
      %dma_wait3A_267 = tpu.memref_slice %arg6[%dma_wait3A_264, %dma_wait3A_265, %dma_wait3A_266] : memref<4x200x64xf32, #tpu.memory_space<vmem>> -> memref<1x200x64xf32, #tpu.memory_space<vmem>>
      %dma_wait3A_268 = tpu.memref_squeeze %dma_wait3A_267 : memref<1x200x64xf32, #tpu.memory_space<vmem>> -> memref<200x64xf32, #tpu.memory_space<vmem>>
      %dma_wait3A_269 = arith.constant 0 : i32
      %dma_wait3A_270 = tpu.memref_slice %arg4[%add3A_263, %dma_wait3A_269] : memref<819200x64xf32, #tpu.memory_space<hbm>> -> memref<200x64xf32, #tpu.memory_space<hbm>>
      %dma_wait3A_271 = arith.constant 0 : i32
      %dma_wait3A_272 = tpu.memref_slice %arg4[%add3A_263, %dma_wait3A_271] : memref<819200x64xf32, #tpu.memory_space<hbm>> -> memref<200x64xf32, #tpu.memory_space<hbm>>
      %dma_wait3A_273 = arith.constant 0 : i32
      %dma_wait3A_274 = arith.constant 0 : i32
      %dma_wait3A_275 = tpu.memref_slice %arg6[%dma_wait3A_264, %dma_wait3A_273, %dma_wait3A_274] : memref<4x200x64xf32, #tpu.memory_space<vmem>> -> memref<1x200x64xf32, #tpu.memory_space<vmem>>
      %dma_wait3A_276 = tpu.memref_squeeze %dma_wait3A_275 : memref<1x200x64xf32, #tpu.memory_space<vmem>> -> memref<200x64xf32, #tpu.memory_space<vmem>>
      tpu.wait_dma2 semaphore(%arg7 : memref<!tpu.dma_semaphore, #tpu.memory_space<semaphore_mem>>) src(%dma_wait3A_276 : memref<200x64xf32, #tpu.memory_space<vmem>>) dst(%dma_wait3A_272 : memref<200x64xf32, #tpu.memory_space<hbm>>)
      %add3A_277 = arith.constant 3 : i32
      %add3A_278 = arith.addi %add3A_230, %add3A_277 : i32
      %dma_start3A_279 = arith.constant 0 : i32
      %dma_start3A_280 = arith.constant 0 : i32
      %dma_start3A_281 = arith.constant 0 : i32
      %dma_start3A_282 = tpu.memref_slice %arg6[%dma_start3A_279, %dma_start3A_280, %dma_start3A_281] : memref<4x200x64xf32, #tpu.memory_space<vmem>> -> memref<1x200x64xf32, #tpu.memory_space<vmem>>
      %dma_start3A_283 = tpu.memref_squeeze %dma_start3A_282 : memref<1x200x64xf32, #tpu.memory_space<vmem>> -> memref<200x64xf32, #tpu.memory_space<vmem>>
      %dma_start3A_284 = arith.constant 0 : i32
      %dma_start3A_285 = tpu.memref_slice %arg5[%add3A_278, %dma_start3A_284] : memref<128x200xi32, #tpu.memory_space<vmem>> -> memref<1x200xi32, #tpu.memory_space<vmem>>
      %dma_start3A_286 = tpu.memref_squeeze %dma_start3A_285 : memref<1x200xi32, #tpu.memory_space<vmem>> -> memref<200xi32, #tpu.memory_space<vmem>>
      %dma_start3A_287 = arith.constant 0 : i32
      %dma_start3A_288 = arith.constant 0 : i32
      %dma_start3A_289 = tpu.memref_slice %arg3[%dma_start3A_287, %dma_start3A_288] : memref<1000000x64xf32, #tpu.memory_space<hbm>> -> memref<1000000x64xf32, #tpu.memory_space<hbm>>
      tpu.enqueue_indirect_dma source(%dma_start3A_289 : memref<1000000x64xf32, #tpu.memory_space<hbm>>) target(%dma_start3A_283 : memref<200x64xf32, #tpu.memory_space<vmem>>) offsets(%dma_start3A_286 : memref<200xi32, #tpu.memory_space<vmem>>) semaphore(%arg7 : memref<!tpu.dma_semaphore, #tpu.memory_space<semaphore_mem>>)
      %mul3A_290 = arith.constant 4 : i32
      %mul3A_291 = arith.muli %scan3A_224, %mul3A_290 : i32
      %add3A_292 = arith.constant 1 : i32
      %add3A_293 = arith.addi %add3A_292, %mul3A_291 : i32
      %add3A_294 = arith.constant 1 : i32
      %add3A_295 = arith.addi %add3A_293, %add3A_294 : i32
      %dma_wait3A_296 = arith.constant 2 : i32
      %dma_wait3A_297 = arith.constant 0 : i32
      %dma_wait3A_298 = arith.constant 0 : i32
      %dma_wait3A_299 = tpu.memref_slice %arg6[%dma_wait3A_296, %dma_wait3A_297, %dma_wait3A_298] : memref<4x200x64xf32, #tpu.memory_space<vmem>> -> memref<1x200x64xf32, #tpu.memory_space<vmem>>
      %dma_wait3A_300 = tpu.memref_squeeze %dma_wait3A_299 : memref<1x200x64xf32, #tpu.memory_space<vmem>> -> memref<200x64xf32, #tpu.memory_space<vmem>>
      %dma_wait3A_301 = arith.constant 0 : i32
      %dma_wait3A_302 = tpu.memref_slice %arg5[%add3A_295, %dma_wait3A_301] : memref<128x200xi32, #tpu.memory_space<vmem>> -> memref<1x200xi32, #tpu.memory_space<vmem>>
      %dma_wait3A_303 = tpu.memref_squeeze %dma_wait3A_302 : memref<1x200xi32, #tpu.memory_space<vmem>> -> memref<200xi32, #tpu.memory_space<vmem>>
      %dma_wait3A_304 = arith.constant 0 : i32
      %dma_wait3A_305 = arith.constant 0 : i32
      %dma_wait3A_306 = tpu.memref_slice %arg3[%dma_wait3A_304, %dma_wait3A_305] : memref<1000000x64xf32, #tpu.memory_space<hbm>> -> memref<1000000x64xf32, #tpu.memory_space<hbm>>
      tpu.wait_indirect_dma semaphore(%arg9 : memref<!tpu.dma_semaphore, #tpu.memory_space<semaphore_mem>>) src(%dma_wait3A_306 : memref<1000000x64xf32, #tpu.memory_space<hbm>>) dst(%dma_wait3A_300 : memref<200x64xf32, #tpu.memory_space<vmem>>)
      %mul3A_307 = arith.constant 200 : i32
      %mul3A_308 = arith.muli %add3A_295, %mul3A_307 : i32
      %add3A_309 = arith.addi %mul3A_2, %mul3A_308 : i32
      %dma_start3A_310 = arith.constant 2 : i32
      %dma_start3A_311 = arith.constant 0 : i32
      %dma_start3A_312 = arith.constant 0 : i32
      %dma_start3A_313 = tpu.memref_slice %arg6[%dma_start3A_310, %dma_start3A_311, %dma_start3A_312] : memref<4x200x64xf32, #tpu.memory_space<vmem>> -> memref<1x200x64xf32, #tpu.memory_space<vmem>>
      %dma_start3A_314 = tpu.memref_squeeze %dma_start3A_313 : memref<1x200x64xf32, #tpu.memory_space<vmem>> -> memref<200x64xf32, #tpu.memory_space<vmem>>
      %dma_start3A_315 = arith.constant 0 : i32
      %dma_start3A_316 = tpu.memref_slice %arg4[%add3A_309, %dma_start3A_315] : memref<819200x64xf32, #tpu.memory_space<hbm>> -> memref<200x64xf32, #tpu.memory_space<hbm>>
      %dma_start3A_317 = arith.constant 0 : i32
      %dma_start3A_318 = tpu.memref_slice %arg4[%add3A_309, %dma_start3A_317] : memref<819200x64xf32, #tpu.memory_space<hbm>> -> memref<200x64xf32, #tpu.memory_space<hbm>>
      %dma_start3A_319 = arith.constant 0 : i32
      %dma_start3A_320 = arith.constant 0 : i32
      %dma_start3A_321 = tpu.memref_slice %arg6[%dma_start3A_310, %dma_start3A_319, %dma_start3A_320] : memref<4x200x64xf32, #tpu.memory_space<vmem>> -> memref<1x200x64xf32, #tpu.memory_space<vmem>>
      %dma_start3A_322 = tpu.memref_squeeze %dma_start3A_321 : memref<1x200x64xf32, #tpu.memory_space<vmem>> -> memref<200x64xf32, #tpu.memory_space<vmem>>
      tpu.enqueue_dma source(%dma_start3A_322 : memref<200x64xf32, #tpu.memory_space<vmem>>) target(%dma_start3A_318 : memref<200x64xf32, #tpu.memory_space<hbm>>) target_semaphore(%arg9 : memref<!tpu.dma_semaphore, #tpu.memory_space<semaphore_mem>>)
      %add3A_323 = arith.constant 3 : i32
      %add3A_324 = arith.addi %add3A_295, %add3A_323 : i32
      %sub3A_325 = arith.constant 4 : i32
      %sub3A_326 = arith.subi %add3A_324, %sub3A_325 : i32
      %mul3A_327 = arith.constant 200 : i32
      %mul3A_328 = arith.muli %sub3A_326, %mul3A_327 : i32
      %add3A_329 = arith.addi %mul3A_2, %mul3A_328 : i32
      %dma_wait3A_330 = arith.constant 1 : i32
      %dma_wait3A_331 = arith.constant 0 : i32
      %dma_wait3A_332 = arith.constant 0 : i32
      %dma_wait3A_333 = tpu.memref_slice %arg6[%dma_wait3A_330, %dma_wait3A_331, %dma_wait3A_332] : memref<4x200x64xf32, #tpu.memory_space<vmem>> -> memref<1x200x64xf32, #tpu.memory_space<vmem>>
      %dma_wait3A_334 = tpu.memref_squeeze %dma_wait3A_333 : memref<1x200x64xf32, #tpu.memory_space<vmem>> -> memref<200x64xf32, #tpu.memory_space<vmem>>
      %dma_wait3A_335 = arith.constant 0 : i32
      %dma_wait3A_336 = tpu.memref_slice %arg4[%add3A_329, %dma_wait3A_335] : memref<819200x64xf32, #tpu.memory_space<hbm>> -> memref<200x64xf32, #tpu.memory_space<hbm>>
      %dma_wait3A_337 = arith.constant 0 : i32
      %dma_wait3A_338 = tpu.memref_slice %arg4[%add3A_329, %dma_wait3A_337] : memref<819200x64xf32, #tpu.memory_space<hbm>> -> memref<200x64xf32, #tpu.memory_space<hbm>>
      %dma_wait3A_339 = arith.constant 0 : i32
      %dma_wait3A_340 = arith.constant 0 : i32
      %dma_wait3A_341 = tpu.memref_slice %arg6[%dma_wait3A_330, %dma_wait3A_339, %dma_wait3A_340] : memref<4x200x64xf32, #tpu.memory_space<vmem>> -> memref<1x200x64xf32, #tpu.memory_space<vmem>>
      %dma_wait3A_342 = tpu.memref_squeeze %dma_wait3A_341 : memref<1x200x64xf32, #tpu.memory_space<vmem>> -> memref<200x64xf32, #tpu.memory_space<vmem>>
      tpu.wait_dma2 semaphore(%arg8 : memref<!tpu.dma_semaphore, #tpu.memory_space<semaphore_mem>>) src(%dma_wait3A_342 : memref<200x64xf32, #tpu.memory_space<vmem>>) dst(%dma_wait3A_338 : memref<200x64xf32, #tpu.memory_space<hbm>>)
      %add3A_343 = arith.constant 3 : i32
      %add3A_344 = arith.addi %add3A_295, %add3A_343 : i32
      %dma_start3A_345 = arith.constant 1 : i32
      %dma_start3A_346 = arith.constant 0 : i32
      %dma_start3A_347 = arith.constant 0 : i32
      %dma_start3A_348 = tpu.memref_slice %arg6[%dma_start3A_345, %dma_start3A_346, %dma_start3A_347] : memref<4x200x64xf32, #tpu.memory_space<vmem>> -> memref<1x200x64xf32, #tpu.memory_space<vmem>>
      %dma_start3A_349 = tpu.memref_squeeze %dma_start3A_348 : memref<1x200x64xf32, #tpu.memory_space<vmem>> -> memref<200x64xf32, #tpu.memory_space<vmem>>
      %dma_start3A_350 = arith.constant 0 : i32
      %dma_start3A_351 = tpu.memref_slice %arg5[%add3A_344, %dma_start3A_350] : memref<128x200xi32, #tpu.memory_space<vmem>> -> memref<1x200xi32, #tpu.memory_space<vmem>>
      %dma_start3A_352 = tpu.memref_squeeze %dma_start3A_351 : memref<1x200xi32, #tpu.memory_space<vmem>> -> memref<200xi32, #tpu.memory_space<vmem>>
      %dma_start3A_353 = arith.constant 0 : i32
      %dma_start3A_354 = arith.constant 0 : i32
      %dma_start3A_355 = tpu.memref_slice %arg3[%dma_start3A_353, %dma_start3A_354] : memref<1000000x64xf32, #tpu.memory_space<hbm>> -> memref<1000000x64xf32, #tpu.memory_space<hbm>>
      tpu.enqueue_indirect_dma source(%dma_start3A_355 : memref<1000000x64xf32, #tpu.memory_space<hbm>>) target(%dma_start3A_349 : memref<200x64xf32, #tpu.memory_space<vmem>>) offsets(%dma_start3A_352 : memref<200xi32, #tpu.memory_space<vmem>>) semaphore(%arg8 : memref<!tpu.dma_semaphore, #tpu.memory_space<semaphore_mem>>)
      %mul3A_356 = arith.constant 4 : i32
      %mul3A_357 = arith.muli %scan3A_224, %mul3A_356 : i32
      %add3A_358 = arith.constant 1 : i32
      %add3A_359 = arith.addi %add3A_358, %mul3A_357 : i32
      %add3A_360 = arith.constant 2 : i32
      %add3A_361 = arith.addi %add3A_359, %add3A_360 : i32
      %dma_wait3A_362 = arith.constant 3 : i32
      %dma_wait3A_363 = arith.constant 0 : i32
      %dma_wait3A_364 = arith.constant 0 : i32
      %dma_wait3A_365 = tpu.memref_slice %arg6[%dma_wait3A_362, %dma_wait3A_363, %dma_wait3A_364] : memref<4x200x64xf32, #tpu.memory_space<vmem>> -> memref<1x200x64xf32, #tpu.memory_space<vmem>>
      %dma_wait3A_366 = tpu.memref_squeeze %dma_wait3A_365 : memref<1x200x64xf32, #tpu.memory_space<vmem>> -> memref<200x64xf32, #tpu.memory_space<vmem>>
      %dma_wait3A_367 = arith.constant 0 : i32
      %dma_wait3A_368 = tpu.memref_slice %arg5[%add3A_361, %dma_wait3A_367] : memref<128x200xi32, #tpu.memory_space<vmem>> -> memref<1x200xi32, #tpu.memory_space<vmem>>
      %dma_wait3A_369 = tpu.memref_squeeze %dma_wait3A_368 : memref<1x200xi32, #tpu.memory_space<vmem>> -> memref<200xi32, #tpu.memory_space<vmem>>
      %dma_wait3A_370 = arith.constant 0 : i32
      %dma_wait3A_371 = arith.constant 0 : i32
      %dma_wait3A_372 = tpu.memref_slice %arg3[%dma_wait3A_370, %dma_wait3A_371] : memref<1000000x64xf32, #tpu.memory_space<hbm>> -> memref<1000000x64xf32, #tpu.memory_space<hbm>>
      tpu.wait_indirect_dma semaphore(%arg10 : memref<!tpu.dma_semaphore, #tpu.memory_space<semaphore_mem>>) src(%dma_wait3A_372 : memref<1000000x64xf32, #tpu.memory_space<hbm>>) dst(%dma_wait3A_366 : memref<200x64xf32, #tpu.memory_space<vmem>>)
      %mul3A_373 = arith.constant 200 : i32
      %mul3A_374 = arith.muli %add3A_361, %mul3A_373 : i32
      %add3A_375 = arith.addi %mul3A_2, %mul3A_374 : i32
      %dma_start3A_376 = arith.constant 3 : i32
      %dma_start3A_377 = arith.constant 0 : i32
      %dma_start3A_378 = arith.constant 0 : i32
      %dma_start3A_379 = tpu.memref_slice %arg6[%dma_start3A_376, %dma_start3A_377, %dma_start3A_378] : memref<4x200x64xf32, #tpu.memory_space<vmem>> -> memref<1x200x64xf32, #tpu.memory_space<vmem>>
      %dma_start3A_380 = tpu.memref_squeeze %dma_start3A_379 : memref<1x200x64xf32, #tpu.memory_space<vmem>> -> memref<200x64xf32, #tpu.memory_space<vmem>>
      %dma_start3A_381 = arith.constant 0 : i32
      %dma_start3A_382 = tpu.memref_slice %arg4[%add3A_375, %dma_start3A_381] : memref<819200x64xf32, #tpu.memory_space<hbm>> -> memref<200x64xf32, #tpu.memory_space<hbm>>
      %dma_start3A_383 = arith.constant 0 : i32
      %dma_start3A_384 = tpu.memref_slice %arg4[%add3A_375, %dma_start3A_383] : memref<819200x64xf32, #tpu.memory_space<hbm>> -> memref<200x64xf32, #tpu.memory_space<hbm>>
      %dma_start3A_385 = arith.constant 0 : i32
      %dma_start3A_386 = arith.constant 0 : i32
      %dma_start3A_387 = tpu.memref_slice %arg6[%dma_start3A_376, %dma_start3A_385, %dma_start3A_386] : memref<4x200x64xf32, #tpu.memory_space<vmem>> -> memref<1x200x64xf32, #tpu.memory_space<vmem>>
      %dma_start3A_388 = tpu.memref_squeeze %dma_start3A_387 : memref<1x200x64xf32, #tpu.memory_space<vmem>> -> memref<200x64xf32, #tpu.memory_space<vmem>>
      tpu.enqueue_dma source(%dma_start3A_388 : memref<200x64xf32, #tpu.memory_space<vmem>>) target(%dma_start3A_384 : memref<200x64xf32, #tpu.memory_space<hbm>>) target_semaphore(%arg10 : memref<!tpu.dma_semaphore, #tpu.memory_space<semaphore_mem>>)
      %add3A_389 = arith.constant 3 : i32
      %add3A_390 = arith.addi %add3A_361, %add3A_389 : i32
      %sub3A_391 = arith.constant 4 : i32
      %sub3A_392 = arith.subi %add3A_390, %sub3A_391 : i32
      %mul3A_393 = arith.constant 200 : i32
      %mul3A_394 = arith.muli %sub3A_392, %mul3A_393 : i32
      %add3A_395 = arith.addi %mul3A_2, %mul3A_394 : i32
      %dma_wait3A_396 = arith.constant 2 : i32
      %dma_wait3A_397 = arith.constant 0 : i32
      %dma_wait3A_398 = arith.constant 0 : i32
      %dma_wait3A_399 = tpu.memref_slice %arg6[%dma_wait3A_396, %dma_wait3A_397, %dma_wait3A_398] : memref<4x200x64xf32, #tpu.memory_space<vmem>> -> memref<1x200x64xf32, #tpu.memory_space<vmem>>
      %dma_wait3A_400 = tpu.memref_squeeze %dma_wait3A_399 : memref<1x200x64xf32, #tpu.memory_space<vmem>> -> memref<200x64xf32, #tpu.memory_space<vmem>>
      %dma_wait3A_401 = arith.constant 0 : i32
      %dma_wait3A_402 = tpu.memref_slice %arg4[%add3A_395, %dma_wait3A_401] : memref<819200x64xf32, #tpu.memory_space<hbm>> -> memref<200x64xf32, #tpu.memory_space<hbm>>
      %dma_wait3A_403 = arith.constant 0 : i32
      %dma_wait3A_404 = tpu.memref_slice %arg4[%add3A_395, %dma_wait3A_403] : memref<819200x64xf32, #tpu.memory_space<hbm>> -> memref<200x64xf32, #tpu.memory_space<hbm>>
      %dma_wait3A_405 = arith.constant 0 : i32
      %dma_wait3A_406 = arith.constant 0 : i32
      %dma_wait3A_407 = tpu.memref_slice %arg6[%dma_wait3A_396, %dma_wait3A_405, %dma_wait3A_406] : memref<4x200x64xf32, #tpu.memory_space<vmem>> -> memref<1x200x64xf32, #tpu.memory_space<vmem>>
      %dma_wait3A_408 = tpu.memref_squeeze %dma_wait3A_407 : memref<1x200x64xf32, #tpu.memory_space<vmem>> -> memref<200x64xf32, #tpu.memory_space<vmem>>
      tpu.wait_dma2 semaphore(%arg9 : memref<!tpu.dma_semaphore, #tpu.memory_space<semaphore_mem>>) src(%dma_wait3A_408 : memref<200x64xf32, #tpu.memory_space<vmem>>) dst(%dma_wait3A_404 : memref<200x64xf32, #tpu.memory_space<hbm>>)
      %add3A_409 = arith.constant 3 : i32
      %add3A_410 = arith.addi %add3A_361, %add3A_409 : i32
      %dma_start3A_411 = arith.constant 2 : i32
      %dma_start3A_412 = arith.constant 0 : i32
      %dma_start3A_413 = arith.constant 0 : i32
      %dma_start3A_414 = tpu.memref_slice %arg6[%dma_start3A_411, %dma_start3A_412, %dma_start3A_413] : memref<4x200x64xf32, #tpu.memory_space<vmem>> -> memref<1x200x64xf32, #tpu.memory_space<vmem>>
      %dma_start3A_415 = tpu.memref_squeeze %dma_start3A_414 : memref<1x200x64xf32, #tpu.memory_space<vmem>> -> memref<200x64xf32, #tpu.memory_space<vmem>>
      %dma_start3A_416 = arith.constant 0 : i32
      %dma_start3A_417 = tpu.memref_slice %arg5[%add3A_410, %dma_start3A_416] : memref<128x200xi32, #tpu.memory_space<vmem>> -> memref<1x200xi32, #tpu.memory_space<vmem>>
      %dma_start3A_418 = tpu.memref_squeeze %dma_start3A_417 : memref<1x200xi32, #tpu.memory_space<vmem>> -> memref<200xi32, #tpu.memory_space<vmem>>
      %dma_start3A_419 = arith.constant 0 : i32
      %dma_start3A_420 = arith.constant 0 : i32
      %dma_start3A_421 = tpu.memref_slice %arg3[%dma_start3A_419, %dma_start3A_420] : memref<1000000x64xf32, #tpu.memory_space<hbm>> -> memref<1000000x64xf32, #tpu.memory_space<hbm>>
      tpu.enqueue_indirect_dma source(%dma_start3A_421 : memref<1000000x64xf32, #tpu.memory_space<hbm>>) target(%dma_start3A_415 : memref<200x64xf32, #tpu.memory_space<vmem>>) offsets(%dma_start3A_418 : memref<200xi32, #tpu.memory_space<vmem>>) semaphore(%arg9 : memref<!tpu.dma_semaphore, #tpu.memory_space<semaphore_mem>>)
      %mul3A_422 = arith.constant 4 : i32
      %mul3A_423 = arith.muli %scan3A_224, %mul3A_422 : i32
      %add3A_424 = arith.constant 1 : i32
      %add3A_425 = arith.addi %add3A_424, %mul3A_423 : i32
      %add3A_426 = arith.constant 3 : i32
      %add3A_427 = arith.addi %add3A_425, %add3A_426 : i32
      %dma_wait3A_428 = arith.constant 0 : i32
      %dma_wait3A_429 = arith.constant 0 : i32
      %dma_wait3A_430 = arith.constant 0 : i32
      %dma_wait3A_431 = tpu.memref_slice %arg6[%dma_wait3A_428, %dma_wait3A_429, %dma_wait3A_430] : memref<4x200x64xf32, #tpu.memory_space<vmem>> -> memref<1x200x64xf32, #tpu.memory_space<vmem>>
      %dma_wait3A_432 = tpu.memref_squeeze %dma_wait3A_431 : memref<1x200x64xf32, #tpu.memory_space<vmem>> -> memref<200x64xf32, #tpu.memory_space<vmem>>
      %dma_wait3A_433 = arith.constant 0 : i32
      %dma_wait3A_434 = tpu.memref_slice %arg5[%add3A_427, %dma_wait3A_433] : memref<128x200xi32, #tpu.memory_space<vmem>> -> memref<1x200xi32, #tpu.memory_space<vmem>>
      %dma_wait3A_435 = tpu.memref_squeeze %dma_wait3A_434 : memref<1x200xi32, #tpu.memory_space<vmem>> -> memref<200xi32, #tpu.memory_space<vmem>>
      %dma_wait3A_436 = arith.constant 0 : i32
      %dma_wait3A_437 = arith.constant 0 : i32
      %dma_wait3A_438 = tpu.memref_slice %arg3[%dma_wait3A_436, %dma_wait3A_437] : memref<1000000x64xf32, #tpu.memory_space<hbm>> -> memref<1000000x64xf32, #tpu.memory_space<hbm>>
      tpu.wait_indirect_dma semaphore(%arg7 : memref<!tpu.dma_semaphore, #tpu.memory_space<semaphore_mem>>) src(%dma_wait3A_438 : memref<1000000x64xf32, #tpu.memory_space<hbm>>) dst(%dma_wait3A_432 : memref<200x64xf32, #tpu.memory_space<vmem>>)
      %mul3A_439 = arith.constant 200 : i32
      %mul3A_440 = arith.muli %add3A_427, %mul3A_439 : i32
      %add3A_441 = arith.addi %mul3A_2, %mul3A_440 : i32
      %dma_start3A_442 = arith.constant 0 : i32
      %dma_start3A_443 = arith.constant 0 : i32
      %dma_start3A_444 = arith.constant 0 : i32
      %dma_start3A_445 = tpu.memref_slice %arg6[%dma_start3A_442, %dma_start3A_443, %dma_start3A_444] : memref<4x200x64xf32, #tpu.memory_space<vmem>> -> memref<1x200x64xf32, #tpu.memory_space<vmem>>
      %dma_start3A_446 = tpu.memref_squeeze %dma_start3A_445 : memref<1x200x64xf32, #tpu.memory_space<vmem>> -> memref<200x64xf32, #tpu.memory_space<vmem>>
      %dma_start3A_447 = arith.constant 0 : i32
      %dma_start3A_448 = tpu.memref_slice %arg4[%add3A_441, %dma_start3A_447] : memref<819200x64xf32, #tpu.memory_space<hbm>> -> memref<200x64xf32, #tpu.memory_space<hbm>>
      %dma_start3A_449 = arith.constant 0 : i32
      %dma_start3A_450 = tpu.memref_slice %arg4[%add3A_441, %dma_start3A_449] : memref<819200x64xf32, #tpu.memory_space<hbm>> -> memref<200x64xf32, #tpu.memory_space<hbm>>
      %dma_start3A_451 = arith.constant 0 : i32
      %dma_start3A_452 = arith.constant 0 : i32
      %dma_start3A_453 = tpu.memref_slice %arg6[%dma_start3A_442, %dma_start3A_451, %dma_start3A_452] : memref<4x200x64xf32, #tpu.memory_space<vmem>> -> memref<1x200x64xf32, #tpu.memory_space<vmem>>
      %dma_start3A_454 = tpu.memref_squeeze %dma_start3A_453 : memref<1x200x64xf32, #tpu.memory_space<vmem>> -> memref<200x64xf32, #tpu.memory_space<vmem>>
      tpu.enqueue_dma source(%dma_start3A_454 : memref<200x64xf32, #tpu.memory_space<vmem>>) target(%dma_start3A_450 : memref<200x64xf32, #tpu.memory_space<hbm>>) target_semaphore(%arg7 : memref<!tpu.dma_semaphore, #tpu.memory_space<semaphore_mem>>)
      %add3A_455 = arith.constant 3 : i32
      %add3A_456 = arith.addi %add3A_427, %add3A_455 : i32
      %sub3A_457 = arith.constant 4 : i32
      %sub3A_458 = arith.subi %add3A_456, %sub3A_457 : i32
      %mul3A_459 = arith.constant 200 : i32
      %mul3A_460 = arith.muli %sub3A_458, %mul3A_459 : i32
      %add3A_461 = arith.addi %mul3A_2, %mul3A_460 : i32
      %dma_wait3A_462 = arith.constant 3 : i32
      %dma_wait3A_463 = arith.constant 0 : i32
      %dma_wait3A_464 = arith.constant 0 : i32
      %dma_wait3A_465 = tpu.memref_slice %arg6[%dma_wait3A_462, %dma_wait3A_463, %dma_wait3A_464] : memref<4x200x64xf32, #tpu.memory_space<vmem>> -> memref<1x200x64xf32, #tpu.memory_space<vmem>>
      %dma_wait3A_466 = tpu.memref_squeeze %dma_wait3A_465 : memref<1x200x64xf32, #tpu.memory_space<vmem>> -> memref<200x64xf32, #tpu.memory_space<vmem>>
      %dma_wait3A_467 = arith.constant 0 : i32
      %dma_wait3A_468 = tpu.memref_slice %arg4[%add3A_461, %dma_wait3A_467] : memref<819200x64xf32, #tpu.memory_space<hbm>> -> memref<200x64xf32, #tpu.memory_space<hbm>>
      %dma_wait3A_469 = arith.constant 0 : i32
      %dma_wait3A_470 = tpu.memref_slice %arg4[%add3A_461, %dma_wait3A_469] : memref<819200x64xf32, #tpu.memory_space<hbm>> -> memref<200x64xf32, #tpu.memory_space<hbm>>
      %dma_wait3A_471 = arith.constant 0 : i32
      %dma_wait3A_472 = arith.constant 0 : i32
      %dma_wait3A_473 = tpu.memref_slice %arg6[%dma_wait3A_462, %dma_wait3A_471, %dma_wait3A_472] : memref<4x200x64xf32, #tpu.memory_space<vmem>> -> memref<1x200x64xf32, #tpu.memory_space<vmem>>
      %dma_wait3A_474 = tpu.memref_squeeze %dma_wait3A_473 : memref<1x200x64xf32, #tpu.memory_space<vmem>> -> memref<200x64xf32, #tpu.memory_space<vmem>>
      tpu.wait_dma2 semaphore(%arg10 : memref<!tpu.dma_semaphore, #tpu.memory_space<semaphore_mem>>) src(%dma_wait3A_474 : memref<200x64xf32, #tpu.memory_space<vmem>>) dst(%dma_wait3A_470 : memref<200x64xf32, #tpu.memory_space<hbm>>)
      %add3A_475 = arith.constant 3 : i32
      %add3A_476 = arith.addi %add3A_427, %add3A_475 : i32
      %dma_start3A_477 = arith.constant 3 : i32
      %dma_start3A_478 = arith.constant 0 : i32
      %dma_start3A_479 = arith.constant 0 : i32
      %dma_start3A_480 = tpu.memref_slice %arg6[%dma_start3A_477, %dma_start3A_478, %dma_start3A_479] : memref<4x200x64xf32, #tpu.memory_space<vmem>> -> memref<1x200x64xf32, #tpu.memory_space<vmem>>
      %dma_start3A_481 = tpu.memref_squeeze %dma_start3A_480 : memref<1x200x64xf32, #tpu.memory_space<vmem>> -> memref<200x64xf32, #tpu.memory_space<vmem>>
      %dma_start3A_482 = arith.constant 0 : i32
      %dma_start3A_483 = tpu.memref_slice %arg5[%add3A_476, %dma_start3A_482] : memref<128x200xi32, #tpu.memory_space<vmem>> -> memref<1x200xi32, #tpu.memory_space<vmem>>
      %dma_start3A_484 = tpu.memref_squeeze %dma_start3A_483 : memref<1x200xi32, #tpu.memory_space<vmem>> -> memref<200xi32, #tpu.memory_space<vmem>>
      %dma_start3A_485 = arith.constant 0 : i32
      %dma_start3A_486 = arith.constant 0 : i32
      %dma_start3A_487 = tpu.memref_slice %arg3[%dma_start3A_485, %dma_start3A_486] : memref<1000000x64xf32, #tpu.memory_space<hbm>> -> memref<1000000x64xf32, #tpu.memory_space<hbm>>
      tpu.enqueue_indirect_dma source(%dma_start3A_487 : memref<1000000x64xf32, #tpu.memory_space<hbm>>) target(%dma_start3A_481 : memref<200x64xf32, #tpu.memory_space<vmem>>) offsets(%dma_start3A_484 : memref<200xi32, #tpu.memory_space<vmem>>) semaphore(%arg10 : memref<!tpu.dma_semaphore, #tpu.memory_space<semaphore_mem>>)
    }
    %scan3A_82 = arith.constant 31 : i32
    %dma_wait3A_83 = arith.constant 125 : i32
    %dma_wait3A_84 = arith.constant 1 : i32
    %dma_wait3A_85 = arith.constant 0 : i32
    %dma_wait3A_86 = arith.constant 0 : i32
    %dma_wait3A_87 = tpu.memref_slice %arg6[%dma_wait3A_84, %dma_wait3A_85, %dma_wait3A_86] : memref<4x200x64xf32, #tpu.memory_space<vmem>> -> memref<1x200x64xf32, #tpu.memory_space<vmem>>
    %dma_wait3A_88 = tpu.memref_squeeze %dma_wait3A_87 : memref<1x200x64xf32, #tpu.memory_space<vmem>> -> memref<200x64xf32, #tpu.memory_space<vmem>>
    %dma_wait3A_89 = arith.constant 0 : i32
    %dma_wait3A_90 = tpu.memref_slice %arg5[%dma_wait3A_83, %dma_wait3A_89] : memref<128x200xi32, #tpu.memory_space<vmem>> -> memref<1x200xi32, #tpu.memory_space<vmem>>
    %dma_wait3A_91 = tpu.memref_squeeze %dma_wait3A_90 : memref<1x200xi32, #tpu.memory_space<vmem>> -> memref<200xi32, #tpu.memory_space<vmem>>
    %dma_wait3A_92 = arith.constant 0 : i32
    %dma_wait3A_93 = arith.constant 0 : i32
    %dma_wait3A_94 = tpu.memref_slice %arg3[%dma_wait3A_92, %dma_wait3A_93] : memref<1000000x64xf32, #tpu.memory_space<hbm>> -> memref<1000000x64xf32, #tpu.memory_space<hbm>>
    tpu.wait_indirect_dma semaphore(%arg8 : memref<!tpu.dma_semaphore, #tpu.memory_space<semaphore_mem>>) src(%dma_wait3A_94 : memref<1000000x64xf32, #tpu.memory_space<hbm>>) dst(%dma_wait3A_88 : memref<200x64xf32, #tpu.memory_space<vmem>>)
    %add3A_95 = arith.constant 25000 : i32
    %add3A_96 = arith.addi %mul3A_2, %add3A_95 : i32
    %dma_start3A_97 = arith.constant 1 : i32
    %dma_start3A_98 = arith.constant 0 : i32
    %dma_start3A_99 = arith.constant 0 : i32
    %dma_start3A_100 = tpu.memref_slice %arg6[%dma_start3A_97, %dma_start3A_98, %dma_start3A_99] : memref<4x200x64xf32, #tpu.memory_space<vmem>> -> memref<1x200x64xf32, #tpu.memory_space<vmem>>
    %dma_start3A_101 = tpu.memref_squeeze %dma_start3A_100 : memref<1x200x64xf32, #tpu.memory_space<vmem>> -> memref<200x64xf32, #tpu.memory_space<vmem>>
    %dma_start3A_102 = arith.constant 0 : i32
    %dma_start3A_103 = tpu.memref_slice %arg4[%add3A_96, %dma_start3A_102] : memref<819200x64xf32, #tpu.memory_space<hbm>> -> memref<200x64xf32, #tpu.memory_space<hbm>>
    %dma_start3A_104 = arith.constant 0 : i32
    %dma_start3A_105 = tpu.memref_slice %arg4[%add3A_96, %dma_start3A_104] : memref<819200x64xf32, #tpu.memory_space<hbm>> -> memref<200x64xf32, #tpu.memory_space<hbm>>
    %dma_start3A_106 = arith.constant 0 : i32
    %dma_start3A_107 = arith.constant 0 : i32
    %dma_start3A_108 = tpu.memref_slice %arg6[%dma_start3A_97, %dma_start3A_106, %dma_start3A_107] : memref<4x200x64xf32, #tpu.memory_space<vmem>> -> memref<1x200x64xf32, #tpu.memory_space<vmem>>
    %dma_start3A_109 = tpu.memref_squeeze %dma_start3A_108 : memref<1x200x64xf32, #tpu.memory_space<vmem>> -> memref<200x64xf32, #tpu.memory_space<vmem>>
    tpu.enqueue_dma source(%dma_start3A_109 : memref<200x64xf32, #tpu.memory_space<vmem>>) target(%dma_start3A_105 : memref<200x64xf32, #tpu.memory_space<hbm>>) target_semaphore(%arg8 : memref<!tpu.dma_semaphore, #tpu.memory_space<semaphore_mem>>)
    %dma_wait3A_110 = arith.constant 126 : i32
    %dma_wait3A_111 = arith.constant 2 : i32
    %dma_wait3A_112 = arith.constant 0 : i32
    %dma_wait3A_113 = arith.constant 0 : i32
    %dma_wait3A_114 = tpu.memref_slice %arg6[%dma_wait3A_111, %dma_wait3A_112, %dma_wait3A_113] : memref<4x200x64xf32, #tpu.memory_space<vmem>> -> memref<1x200x64xf32, #tpu.memory_space<vmem>>
    %dma_wait3A_115 = tpu.memref_squeeze %dma_wait3A_114 : memref<1x200x64xf32, #tpu.memory_space<vmem>> -> memref<200x64xf32, #tpu.memory_space<vmem>>
    %dma_wait3A_116 = arith.constant 0 : i32
    %dma_wait3A_117 = tpu.memref_slice %arg5[%dma_wait3A_110, %dma_wait3A_116] : memref<128x200xi32, #tpu.memory_space<vmem>> -> memref<1x200xi32, #tpu.memory_space<vmem>>
    %dma_wait3A_118 = tpu.memref_squeeze %dma_wait3A_117 : memref<1x200xi32, #tpu.memory_space<vmem>> -> memref<200xi32, #tpu.memory_space<vmem>>
    %dma_wait3A_119 = arith.constant 0 : i32
    %dma_wait3A_120 = arith.constant 0 : i32
    %dma_wait3A_121 = tpu.memref_slice %arg3[%dma_wait3A_119, %dma_wait3A_120] : memref<1000000x64xf32, #tpu.memory_space<hbm>> -> memref<1000000x64xf32, #tpu.memory_space<hbm>>
    tpu.wait_indirect_dma semaphore(%arg9 : memref<!tpu.dma_semaphore, #tpu.memory_space<semaphore_mem>>) src(%dma_wait3A_121 : memref<1000000x64xf32, #tpu.memory_space<hbm>>) dst(%dma_wait3A_115 : memref<200x64xf32, #tpu.memory_space<vmem>>)
    %add3A_122 = arith.constant 25200 : i32
    %add3A_123 = arith.addi %mul3A_2, %add3A_122 : i32
    %dma_start3A_124 = arith.constant 2 : i32
    %dma_start3A_125 = arith.constant 0 : i32
    %dma_start3A_126 = arith.constant 0 : i32
    %dma_start3A_127 = tpu.memref_slice %arg6[%dma_start3A_124, %dma_start3A_125, %dma_start3A_126] : memref<4x200x64xf32, #tpu.memory_space<vmem>> -> memref<1x200x64xf32, #tpu.memory_space<vmem>>
    %dma_start3A_128 = tpu.memref_squeeze %dma_start3A_127 : memref<1x200x64xf32, #tpu.memory_space<vmem>> -> memref<200x64xf32, #tpu.memory_space<vmem>>
    %dma_start3A_129 = arith.constant 0 : i32
    %dma_start3A_130 = tpu.memref_slice %arg4[%add3A_123, %dma_start3A_129] : memref<819200x64xf32, #tpu.memory_space<hbm>> -> memref<200x64xf32, #tpu.memory_space<hbm>>
    %dma_start3A_131 = arith.constant 0 : i32
    %dma_start3A_132 = tpu.memref_slice %arg4[%add3A_123, %dma_start3A_131] : memref<819200x64xf32, #tpu.memory_space<hbm>> -> memref<200x64xf32, #tpu.memory_space<hbm>>
    %dma_start3A_133 = arith.constant 0 : i32
    %dma_start3A_134 = arith.constant 0 : i32
    %dma_start3A_135 = tpu.memref_slice %arg6[%dma_start3A_124, %dma_start3A_133, %dma_start3A_134] : memref<4x200x64xf32, #tpu.memory_space<vmem>> -> memref<1x200x64xf32, #tpu.memory_space<vmem>>
    %dma_start3A_136 = tpu.memref_squeeze %dma_start3A_135 : memref<1x200x64xf32, #tpu.memory_space<vmem>> -> memref<200x64xf32, #tpu.memory_space<vmem>>
    tpu.enqueue_dma source(%dma_start3A_136 : memref<200x64xf32, #tpu.memory_space<vmem>>) target(%dma_start3A_132 : memref<200x64xf32, #tpu.memory_space<hbm>>) target_semaphore(%arg9 : memref<!tpu.dma_semaphore, #tpu.memory_space<semaphore_mem>>)
    %dma_wait3A_137 = arith.constant 127 : i32
    %dma_wait3A_138 = arith.constant 3 : i32
    %dma_wait3A_139 = arith.constant 0 : i32
    %dma_wait3A_140 = arith.constant 0 : i32
    %dma_wait3A_141 = tpu.memref_slice %arg6[%dma_wait3A_138, %dma_wait3A_139, %dma_wait3A_140] : memref<4x200x64xf32, #tpu.memory_space<vmem>> -> memref<1x200x64xf32, #tpu.memory_space<vmem>>
    %dma_wait3A_142 = tpu.memref_squeeze %dma_wait3A_141 : memref<1x200x64xf32, #tpu.memory_space<vmem>> -> memref<200x64xf32, #tpu.memory_space<vmem>>
    %dma_wait3A_143 = arith.constant 0 : i32
    %dma_wait3A_144 = tpu.memref_slice %arg5[%dma_wait3A_137, %dma_wait3A_143] : memref<128x200xi32, #tpu.memory_space<vmem>> -> memref<1x200xi32, #tpu.memory_space<vmem>>
    %dma_wait3A_145 = tpu.memref_squeeze %dma_wait3A_144 : memref<1x200xi32, #tpu.memory_space<vmem>> -> memref<200xi32, #tpu.memory_space<vmem>>
    %dma_wait3A_146 = arith.constant 0 : i32
    %dma_wait3A_147 = arith.constant 0 : i32
    %dma_wait3A_148 = tpu.memref_slice %arg3[%dma_wait3A_146, %dma_wait3A_147] : memref<1000000x64xf32, #tpu.memory_space<hbm>> -> memref<1000000x64xf32, #tpu.memory_space<hbm>>
    tpu.wait_indirect_dma semaphore(%arg10 : memref<!tpu.dma_semaphore, #tpu.memory_space<semaphore_mem>>) src(%dma_wait3A_148 : memref<1000000x64xf32, #tpu.memory_space<hbm>>) dst(%dma_wait3A_142 : memref<200x64xf32, #tpu.memory_space<vmem>>)
    %add3A_149 = arith.constant 25400 : i32
    %add3A_150 = arith.addi %mul3A_2, %add3A_149 : i32
    %dma_start3A_151 = arith.constant 3 : i32
    %dma_start3A_152 = arith.constant 0 : i32
    %dma_start3A_153 = arith.constant 0 : i32
    %dma_start3A_154 = tpu.memref_slice %arg6[%dma_start3A_151, %dma_start3A_152, %dma_start3A_153] : memref<4x200x64xf32, #tpu.memory_space<vmem>> -> memref<1x200x64xf32, #tpu.memory_space<vmem>>
    %dma_start3A_155 = tpu.memref_squeeze %dma_start3A_154 : memref<1x200x64xf32, #tpu.memory_space<vmem>> -> memref<200x64xf32, #tpu.memory_space<vmem>>
    %dma_start3A_156 = arith.constant 0 : i32
    %dma_start3A_157 = tpu.memref_slice %arg4[%add3A_150, %dma_start3A_156] : memref<819200x64xf32, #tpu.memory_space<hbm>> -> memref<200x64xf32, #tpu.memory_space<hbm>>
    %dma_start3A_158 = arith.constant 0 : i32
    %dma_start3A_159 = tpu.memref_slice %arg4[%add3A_150, %dma_start3A_158] : memref<819200x64xf32, #tpu.memory_space<hbm>> -> memref<200x64xf32, #tpu.memory_space<hbm>>
    %dma_start3A_160 = arith.constant 0 : i32
    %dma_start3A_161 = arith.constant 0 : i32
    %dma_start3A_162 = tpu.memref_slice %arg6[%dma_start3A_151, %dma_start3A_160, %dma_start3A_161] : memref<4x200x64xf32, #tpu.memory_space<vmem>> -> memref<1x200x64xf32, #tpu.memory_space<vmem>>
    %dma_start3A_163 = tpu.memref_squeeze %dma_start3A_162 : memref<1x200x64xf32, #tpu.memory_space<vmem>> -> memref<200x64xf32, #tpu.memory_space<vmem>>
    tpu.enqueue_dma source(%dma_start3A_163 : memref<200x64xf32, #tpu.memory_space<vmem>>) target(%dma_start3A_159 : memref<200x64xf32, #tpu.memory_space<hbm>>) target_semaphore(%arg10 : memref<!tpu.dma_semaphore, #tpu.memory_space<semaphore_mem>>)
    %add3A_164 = arith.constant 24800 : i32
    %add3A_165 = arith.addi %mul3A_2, %add3A_164 : i32
    %dma_wait3A_166 = arith.constant 0 : i32
    %dma_wait3A_167 = arith.constant 0 : i32
    %dma_wait3A_168 = arith.constant 0 : i32
    %dma_wait3A_169 = tpu.memref_slice %arg6[%dma_wait3A_166, %dma_wait3A_167, %dma_wait3A_168] : memref<4x200x64xf32, #tpu.memory_space<vmem>> -> memref<1x200x64xf32, #tpu.memory_space<vmem>>
    %dma_wait3A_170 = tpu.memref_squeeze %dma_wait3A_169 : memref<1x200x64xf32, #tpu.memory_space<vmem>> -> memref<200x64xf32, #tpu.memory_space<vmem>>
    %dma_wait3A_171 = arith.constant 0 : i32
    %dma_wait3A_172 = tpu.memref_slice %arg4[%add3A_165, %dma_wait3A_171] : memref<819200x64xf32, #tpu.memory_space<hbm>> -> memref<200x64xf32, #tpu.memory_space<hbm>>
    %dma_wait3A_173 = arith.constant 0 : i32
    %dma_wait3A_174 = tpu.memref_slice %arg4[%add3A_165, %dma_wait3A_173] : memref<819200x64xf32, #tpu.memory_space<hbm>> -> memref<200x64xf32, #tpu.memory_space<hbm>>
    %dma_wait3A_175 = arith.constant 0 : i32
    %dma_wait3A_176 = arith.constant 0 : i32
    %dma_wait3A_177 = tpu.memref_slice %arg6[%dma_wait3A_166, %dma_wait3A_175, %dma_wait3A_176] : memref<4x200x64xf32, #tpu.memory_space<vmem>> -> memref<1x200x64xf32, #tpu.memory_space<vmem>>
    %dma_wait3A_178 = tpu.memref_squeeze %dma_wait3A_177 : memref<1x200x64xf32, #tpu.memory_space<vmem>> -> memref<200x64xf32, #tpu.memory_space<vmem>>
    tpu.wait_dma2 semaphore(%arg7 : memref<!tpu.dma_semaphore, #tpu.memory_space<semaphore_mem>>) src(%dma_wait3A_178 : memref<200x64xf32, #tpu.memory_space<vmem>>) dst(%dma_wait3A_174 : memref<200x64xf32, #tpu.memory_space<hbm>>)
    %add3A_179 = arith.constant 25000 : i32
    %add3A_180 = arith.addi %mul3A_2, %add3A_179 : i32
    %dma_wait3A_181 = arith.constant 1 : i32
    %dma_wait3A_182 = arith.constant 0 : i32
    %dma_wait3A_183 = arith.constant 0 : i32
    %dma_wait3A_184 = tpu.memref_slice %arg6[%dma_wait3A_181, %dma_wait3A_182, %dma_wait3A_183] : memref<4x200x64xf32, #tpu.memory_space<vmem>> -> memref<1x200x64xf32, #tpu.memory_space<vmem>>
    %dma_wait3A_185 = tpu.memref_squeeze %dma_wait3A_184 : memref<1x200x64xf32, #tpu.memory_space<vmem>> -> memref<200x64xf32, #tpu.memory_space<vmem>>
    %dma_wait3A_186 = arith.constant 0 : i32
    %dma_wait3A_187 = tpu.memref_slice %arg4[%add3A_180, %dma_wait3A_186] : memref<819200x64xf32, #tpu.memory_space<hbm>> -> memref<200x64xf32, #tpu.memory_space<hbm>>
    %dma_wait3A_188 = arith.constant 0 : i32
    %dma_wait3A_189 = tpu.memref_slice %arg4[%add3A_180, %dma_wait3A_188] : memref<819200x64xf32, #tpu.memory_space<hbm>> -> memref<200x64xf32, #tpu.memory_space<hbm>>
    %dma_wait3A_190 = arith.constant 0 : i32
    %dma_wait3A_191 = arith.constant 0 : i32
    %dma_wait3A_192 = tpu.memref_slice %arg6[%dma_wait3A_181, %dma_wait3A_190, %dma_wait3A_191] : memref<4x200x64xf32, #tpu.memory_space<vmem>> -> memref<1x200x64xf32, #tpu.memory_space<vmem>>
    %dma_wait3A_193 = tpu.memref_squeeze %dma_wait3A_192 : memref<1x200x64xf32, #tpu.memory_space<vmem>> -> memref<200x64xf32, #tpu.memory_space<vmem>>
    tpu.wait_dma2 semaphore(%arg8 : memref<!tpu.dma_semaphore, #tpu.memory_space<semaphore_mem>>) src(%dma_wait3A_193 : memref<200x64xf32, #tpu.memory_space<vmem>>) dst(%dma_wait3A_189 : memref<200x64xf32, #tpu.memory_space<hbm>>)
    %add3A_194 = arith.constant 25200 : i32
    %add3A_195 = arith.addi %mul3A_2, %add3A_194 : i32
    %dma_wait3A_196 = arith.constant 2 : i32
    %dma_wait3A_197 = arith.constant 0 : i32
    %dma_wait3A_198 = arith.constant 0 : i32
    %dma_wait3A_199 = tpu.memref_slice %arg6[%dma_wait3A_196, %dma_wait3A_197, %dma_wait3A_198] : memref<4x200x64xf32, #tpu.memory_space<vmem>> -> memref<1x200x64xf32, #tpu.memory_space<vmem>>
    %dma_wait3A_200 = tpu.memref_squeeze %dma_wait3A_199 : memref<1x200x64xf32, #tpu.memory_space<vmem>> -> memref<200x64xf32, #tpu.memory_space<vmem>>
    %dma_wait3A_201 = arith.constant 0 : i32
    %dma_wait3A_202 = tpu.memref_slice %arg4[%add3A_195, %dma_wait3A_201] : memref<819200x64xf32, #tpu.memory_space<hbm>> -> memref<200x64xf32, #tpu.memory_space<hbm>>
    %dma_wait3A_203 = arith.constant 0 : i32
    %dma_wait3A_204 = tpu.memref_slice %arg4[%add3A_195, %dma_wait3A_203] : memref<819200x64xf32, #tpu.memory_space<hbm>> -> memref<200x64xf32, #tpu.memory_space<hbm>>
    %dma_wait3A_205 = arith.constant 0 : i32
    %dma_wait3A_206 = arith.constant 0 : i32
    %dma_wait3A_207 = tpu.memref_slice %arg6[%dma_wait3A_196, %dma_wait3A_205, %dma_wait3A_206] : memref<4x200x64xf32, #tpu.memory_space<vmem>> -> memref<1x200x64xf32, #tpu.memory_space<vmem>>
    %dma_wait3A_208 = tpu.memref_squeeze %dma_wait3A_207 : memref<1x200x64xf32, #tpu.memory_space<vmem>> -> memref<200x64xf32, #tpu.memory_space<vmem>>
    tpu.wait_dma2 semaphore(%arg9 : memref<!tpu.dma_semaphore, #tpu.memory_space<semaphore_mem>>) src(%dma_wait3A_208 : memref<200x64xf32, #tpu.memory_space<vmem>>) dst(%dma_wait3A_204 : memref<200x64xf32, #tpu.memory_space<hbm>>)
    %add3A_209 = arith.constant 25400 : i32
    %add3A_210 = arith.addi %mul3A_2, %add3A_209 : i32
    %dma_wait3A_211 = arith.constant 3 : i32
    %dma_wait3A_212 = arith.constant 0 : i32
    %dma_wait3A_213 = arith.constant 0 : i32
    %dma_wait3A_214 = tpu.memref_slice %arg6[%dma_wait3A_211, %dma_wait3A_212, %dma_wait3A_213] : memref<4x200x64xf32, #tpu.memory_space<vmem>> -> memref<1x200x64xf32, #tpu.memory_space<vmem>>
    %dma_wait3A_215 = tpu.memref_squeeze %dma_wait3A_214 : memref<1x200x64xf32, #tpu.memory_space<vmem>> -> memref<200x64xf32, #tpu.memory_space<vmem>>
    %dma_wait3A_216 = arith.constant 0 : i32
    %dma_wait3A_217 = tpu.memref_slice %arg4[%add3A_210, %dma_wait3A_216] : memref<819200x64xf32, #tpu.memory_space<hbm>> -> memref<200x64xf32, #tpu.memory_space<hbm>>
    %dma_wait3A_218 = arith.constant 0 : i32
    %dma_wait3A_219 = tpu.memref_slice %arg4[%add3A_210, %dma_wait3A_218] : memref<819200x64xf32, #tpu.memory_space<hbm>> -> memref<200x64xf32, #tpu.memory_space<hbm>>
    %dma_wait3A_220 = arith.constant 0 : i32
    %dma_wait3A_221 = arith.constant 0 : i32
    %dma_wait3A_222 = tpu.memref_slice %arg6[%dma_wait3A_211, %dma_wait3A_220, %dma_wait3A_221] : memref<4x200x64xf32, #tpu.memory_space<vmem>> -> memref<1x200x64xf32, #tpu.memory_space<vmem>>
    %dma_wait3A_223 = tpu.memref_squeeze %dma_wait3A_222 : memref<1x200x64xf32, #tpu.memory_space<vmem>> -> memref<200x64xf32, #tpu.memory_space<vmem>>
    tpu.wait_dma2 semaphore(%arg10 : memref<!tpu.dma_semaphore, #tpu.memory_space<semaphore_mem>>) src(%dma_wait3A_223 : memref<200x64xf32, #tpu.memory_space<vmem>>) dst(%dma_wait3A_219 : memref<200x64xf32, #tpu.memory_space<hbm>>)
    return
  }
}

</mosaic_0001>

<sc_bundles>
// kernel: kernel.3.cloned.1.call-start
scs
__scs_entry_jumppad:
0x0: {  	(pc) =	sbr.rel $0x88, $3  }
0x1: {  	(tag) =	ssettag $0x0;
	lr =	simm.s32 $0x1  }
0x2: {  	[smem:$0x3F9F] =	sst lr;
	_ =	strace $0xD0000000  }
0x3: {  	_ = 	snop  }
0x4: {  	_ = 	snop  }
0x5: {  	_ = 	snop  }
0x6: {  	_ = 	snop  }
0x7: {  	_ = 	snop  }
__scs_overlays_trampoline_lowered:
0x8: {  	[smem:$0x3FAE] =	sst s0  }
0x9: {  	[smem:$0x3FAF] =	sst s1  }
0xa: {  	[smem:$0x3FB0] =	sst s2  }
0xb: {  	[smem:$0x3FB1] =	sst s3  }
0xc: {  	[smem:$0x3FB2] =	sst s4  }
0xd: {  	[smem:$0x3FB3] =	sst s5  }
0xe: {  	[smem:$0x3FB4] =	sst s6  }
0xf: {  	[smem:$0x3FB5] =	sst s7  }
0x10: {  	[smem:$0x3FB6] =	sst s8  }
0x11: {  	[smem:$0x3FB7] =	sst s9;
	s0 =	simm.s32 @!p0 $0x0  }
0x12: {  	s1 =	sld [smem:$0x3F9D];
	s0 =	simm.s32 @p0 $0x1  }
0x13: {  	[smem:$0x3FB8] =	sst s0;
	s0 =	simm.s32 @!p1 $0x0  }
0x14: {  	s2 =	sld [smem:$0x3F9C];
	s0 =	simm.s32 @p1 $0x1  }
0x15: {  	[smem:$0x3FB9] =	sst s0;
	s0 =	simm.s32 @!p2 $0x0  }
0x16: {  	s3 =	sld [smem:$0x3FDB];
	s0 =	simm.s32 @p2 $0x1  }
0x17: {  	s4 =	simm.s32 $0x1BF5;
	[smem:$0x3FBB] =	sst s0  }
0x18: {  	s0 =	sld [smem:$0x3F9E];
	_ =	swait.ge [sflag:s4], $0x0  }
0x19: {  	s7 =	sld [smem:$0x3F9F]  }
0x1a: {  	s8 =	sadd.s32 $0xFFFFE003, lr  }
0x1b: {  	s9 =	sadd.s32 $0xFFFFFEF7, lr;
	s5 =	simm.s32 $0xFFFFFFFF;
	p2 =	slt.u32 s8, $0xFFFFF086  }
0x1c: {  	p1 =	slt.u32 s9, $0xF7A;
	s5 =	simm.s32 @!p2 $0x0  }
0x1d: {  	s5 =	simm.s32 @p1 $0x1;
	p0 =	seq.s32 s7, s2  }
0x1e: {  	s7 =	smul.u32 @!p0 $0xF7A, s2;
	p2 =	seq.s32 @!p0 s5, $0x0  }
0x1f: {  	s9 =	smul.u32 $0xF7A, s1;
	s8 =	simm.s32 @!p0 $0x1BF5;
	p2 =	por !p2, p0  }
0x20: {  	[sflag:s8] =	ssyncset.s32 @!p0 $0xFFFFF086;
	s6 =	sadd.s32 @!p0 s3, s7;
	s7 =	simm.s32 @!p0 $0x108  }
0x21: {  	s3 =	sadd.s32 s3, s9;
	s6 =	sadd.s32 @!p0 $0x88, s6;
	s7 =	simm.s32 @p2 $0x1082  }
0x22: {  	[simem:s7], [sflag:s8] =	dma.local @!p0 [hbm:s6], $0xF7A  }
0x23: {  	s9 =	sor.u32 $0xD0000000, s2;
	s6 =	simm.s32 $0x108;
	_ =	swait.ge @!p0 [sflag:s8], $0x0  }
0x24: {  	s3 =	sadd.s32 $0x88, s3;
	s6 =	simm.s32 @!p1 $0x1082;
	[sflag:s4] =	ssyncset.s32 $0xFFFFF086  }
0x25: {  	[simem:s6], [sflag:s4] =	dma.local [hbm:s3], $0xF7A  }
0x26: {  	[smem:$0x3F9F] =	sst s1;
	(tag) =	ssettag s2;
	_ =	strace s9  }
0x27: {  	s1 =	sld [smem:$0x3FAF]  }
0x28: {  	s2 =	sld [smem:$0x3FB0]  }
0x29: {  	s4 =	sld [smem:$0x3FB2]  }
0x2a: {  	p0 =	seq.s32 s5, $0x0;
	s5 =	sld [smem:$0x3FB3]  }
0x2b: {  	s6 =	sld [smem:$0x3FB4]  }
0x2c: {  	s7 =	sld [smem:$0x3FB5]  }
0x2d: {  	s3 =	simm.s32 $0x108;
	s8 =	sld [smem:$0x3FB6]  }
0x2e: {  	s3 =	simm.s32 @!p0 $0x1082;
	s9 =	sld [smem:$0x3FB7]  }
0x2f: {  	lr =	sadd.s32 s0, s3;
	s0 =	sld [smem:$0x3FAE]  }
0x30: {  	s3 =	sld [smem:$0x3FB1]  }
0x31: {  	[smem:$0x3FBA] =	sst s10  }
0x32: {  	s10 =	sld [smem:$0x3FB8];
	_ =	sdelay $0x3  }
0x33: {  	p0 =	seq.s32 s10, $0x1;
	s10 =	sld [smem:$0x3FBA];
	_ =	sdelay $0x3  }
0x34: {  	[smem:$0x3FBA] =	sst s10  }
0x35: {  	s10 =	sld [smem:$0x3FB9];
	_ =	sdelay $0x3  }
0x36: {  	p1 =	seq.s32 s10, $0x1;
	s10 =	sld [smem:$0x3FBA];
	_ =	sdelay $0x3  }
0x37: {  	[smem:$0x3FBA] =	sst s10  }
0x38: {  	s10 =	sld [smem:$0x3FBB]  }
0x39: {  	_ = 	snop;
	(pc) =	sbr.ind lr, $3  }
0x3a: {  	_ = 	snop  }
0x3b: {  	_ = 	snop  }
0x3c: {  	p2 =	seq.s32 s10, $0x1;
	s10 =	sld [smem:$0x3FBA]  }
0x3d: {  	_ =	shalt  }
0x3e: {  	_ =	shalt  }
0x3f: {  	_ =	shalt  }
0x40: {  	_ =	shalt  }
0x41: {  	_ =	shalt  }
0x42: {  	_ =	shalt  }
0x43: {  	_ =	shalt  }
0x44: {  	_ =	shalt  }
0x45: {  	_ =	shalt  }
0x46: {  	_ =	shalt  }
0x47: {  	_ =	shalt  }
0x48: {  	_ =	shalt  }
0x49: {  	_ =	shalt  }
0x4a: {  	_ =	shalt  }
0x4b: {  	_ =	shalt  }
0x4c: {  	_ =	shalt  }
0x4d: {  	_ =	shalt  }
0x4e: {  	_ =	shalt  }
0x4f: {  	_ =	shalt  }
0x50: {  	_ =	shalt  }
0x51: {  	_ =	shalt  }
0x52: {  	_ =	shalt  }
0x53: {  	_ =	shalt  }
0x54: {  	_ =	shalt  }
0x55: {  	_ =	shalt  }
0x56: {  	_ =	shalt  }
0x57: {  	_ =	shalt  }
0x58: {  	_ =	shalt  }
0x59: {  	_ =	shalt  }
0x5a: {  	_ =	shalt  }
0x5b: {  	_ =	shalt  }
0x5c: {  	_ =	shalt  }
0x5d: {  	_ =	shalt  }
0x5e: {  	_ =	shalt  }
0x5f: {  	_ =	shalt  }
0x60: {  	_ =	shalt  }
0x61: {  	_ =	shalt  }
0x62: {  	_ =	shalt  }
0x63: {  	_ =	shalt  }
0x64: {  	_ =	shalt  }
0x65: {  	_ =	shalt  }
0x66: {  	_ =	shalt  }
0x67: {  	_ =	shalt  }
0x68: {  	_ =	shalt  }
0x69: {  	_ =	shalt  }
0x6a: {  	_ =	shalt  }
0x6b: {  	_ =	shalt  }
0x6c: {  	_ =	shalt  }
0x6d: {  	_ =	shalt  }
0x6e: {  	_ =	shalt  }
0x6f: {  	_ =	shalt  }
0x70: {  	_ =	shalt  }
0x71: {  	_ =	shalt  }
0x72: {  	_ =	shalt  }
0x73: {  	_ =	shalt  }
0x74: {  	_ =	shalt  }
0x75: {  	_ =	shalt  }
0x76: {  	_ =	shalt  }
0x77: {  	_ =	shalt  }
0x78: {  	_ =	shalt  }
0x79: {  	_ =	shalt  }
0x7a: {  	_ =	shalt  }
0x7b: {  	_ =	shalt  }
0x7c: {  	_ =	shalt  }
0x7d: {  	_ =	shalt  }
0x7e: {  	_ =	shalt  }
0x7f: {  	_ =	shalt  }
0x80: {  	_ =	shalt  }
0x81: {  	_ =	shalt  }
0x82: {  	_ =	shalt  }
0x83: {  	_ =	shalt  }
0x84: {  	_ =	shalt  }
0x85: {  	_ =	shalt  }
0x86: {  	_ =	shalt  }
0x87: {  	_ =	shalt  }
.Lfunc_end0:
.L_simem_size_0:
called_computation.1_lowered:
.L_overlay_start_0:
0x88: {  	s2 =	sld [smem:$0x3FD9]  }
0x89: {  	s3 =	sld [smem:$0x3FFE];
	_ =	sdelay $0x1  }
0x8a: {  	s1 =	srdreg.scid  }
0x8b: {  	s0 =	sand.u32 $0x1, s1  }
0x8c: {  	s17 =	sshll.u32 s0, $0xA;
	s2 =	sadd.s32 s3, s2  }
0x8d: {  	s2 =	sadd.s32 s2, s17  }
0x8e: {  	[smem:$0x3FC6] =	sst s2  }
0x8f: {  	_ = 	snop  }
0x90: {  	s2 =	sld [smem:$0x3FD0];
	(tm) =	ssettm $0x1  }
0x91: {  	s18 =	sld [smem:$0x3FFB];
	_ =	sdelay $0x3  }
0x92: {  	_ =	strace s18  }
0x93: {  	s3 =	sld [smem:$0x3FFC];
	_ =	sdelay $0x3  }
0x94: {  	_ =	strace s3  }
0x95: {  	s3 =	sld [smem:$0x3FFD];
	_ =	sdelay $0x3  }
0x96: {  	_ =	strace s3  }
0x97: {  	_ =	strace $0x8FFFFFFF  }
0x98: {  	s19 =	sld [smem:$0x3FDB];
	_ =	sdelay $0x1  }
0x99: {  	s4 =	simm.s32 $_scs_section_size  }
0x9a: {  	s5 =	simm.s32 $_size__tile_overlayer_lowered;
	s6 =	simm.s32 $_tile_overlayer_lowered  }
0x9b: {  	s22 =	simm.s32 $0x1BFF;
	s21 =	sshll.u32 s6, $0x1;
	s3 =	sadd.s32 s4, s19  }
0x9c: {  	s7 =	simm.s32 $0x0;
	s20 =	sshll.u32 s5, $0x1;
	s5 =	sadd.s32 s21, s3  }
0x9d: {  	[timem:s7], [sflag:s22] =	dma.local [hbm:s5], s20  }
0x9e: {  	_ =	swait.ge [sflag:s22], s20  }
0x9f: {  	s4 =	ssub.s32 $0x0, s20;
	[sflag:s22] =	ssyncset.done $0x0  }
0xa0: {  	[sflag:s22] =	ssyncadd.s32 s4;
	_ =	sdelay $0x1  }
0xa1: {  	s23 =	simm.s32 $0x1B8B  }
0xa2: {  	_ =	swait.ge [sflag:s23], $0x1  }
0xa3: {  	[sflag:s23] =	ssyncset.done $0x0  }
0xa4: {  	s25 =	simm.s32 $0x1B8E;
	s24 =	sld [smem:$0x3FFE];
	[sflag:s23] =	ssyncadd.s32 $0xFFFFFFFF  }
0xa5: {  	s26 =	simm.s32 $execute0_lowered;
	[smem:$0x3FD2] =	sst s25  }
0xa6: {  	s5 =	sshll.u32 s26, $0x1;
	_ =	strace $0x80000046;
	[dreg:$0x1] =	wrdreg $0xFFFFFFFF  }
0xa7: {  	s28 =	simm.s32 $_size_execute0_lowered;
	s3 =	sadd.s32 s3, s5;
	[dreg:$0x0] =	wrdreg $0x0  }
0xa8: {  	s5 =	sshll.u32 s28, $0x1;
	[dreg:$0x2] =	wrdreg s3  }
0xa9: {  	[dreg:$0x3] =	wrdreg s5  }
0xaa: {  	[dreg:$0x4] =	wrdreg $0xC0  }
0xab: {  	_ =	task [dreg:s7], $0x5FFFF  }
0xac: {  	[dreg:$0x1] =	wrdreg $0xFFFFFFFF  }
0xad: {  	[dreg:$0x0] =	wrdreg $0x60  }
0xae: {  	[dreg:$0x2] =	wrdreg s24  }
0xaf: {  	[dreg:$0x3] =	wrdreg s2  }
0xb0: {  	[dreg:$0x4] =	wrdreg $0x9  }
0xb1: {  	_ =	task.clear_ibuf [dreg:s7], $0x5FFFF;
	_ =	strace $0x90000046  }
0xb2: {  	s29 =	simm.s32 $0x9;
	_ =	strace $0x80000048  }
0xb3: {  	_ =	swait.ge [sflag:s29], $0x1  }
0xb4: {  	[sflag:s29] =	ssyncadd.s32 $0xFFFFFFFF  }
0xb5: {  	_ =	strace $0x90000048  }
0xb6: {  	_ =	sfence  }
0xb7: {  	s30 =	sld [smem:$0x0];
	_ =	sdelay $0x2  }
0xb8: {  	s31 =	sshll.u32 s1, $0xD;
	s1 =	sshrl.u32 s1, $0x2  }
0xb9: {  	s3 =	sand.u32 $0x4000, s31;
	s1 =	sadd.s32 s1, s30  }
0xba: {  	s0 =	sor.u32 s3, s0;
	s1 =	sshll.u32 s1, $0x11  }
0xbb: {  	s0 =	sor.u32 s1, s0  }
0xbc: {  	s0 =	sadd.s32 $0x8F2B, s0  }
0xbd: {  	[sflag:s0] =	ssyncadd.remote.s32 $0x1  }
0xbe: {  	_ =	sfence.sel $0xFFFF  }
0xbf: {  	[dreg:$0x0] =	wrdreg $0xFFFFFFFF;
	(pc) =	sbr.abs _section_cstart, $3  }
0xc0: {  	[dreg:$0x1] =	wrdreg $0xFFFFFFFF  }
0xc1: {  	_ =	task.clear_ibuf [dreg:s7], $0x2FFFF;
	_ =	strace $0x9FFFFFFF  }
0xc2: {  	(tm) =	ssettm $0x7FFFFFFF  }
0xc3: {  	_ =	shalt  }
tec
execute0_lowered:
.L_overlay_start_1:
0x0: {  	(tag) =	ssettag $0x1  }
0x1: {  	s0 =	rddreg [dreg:$0x0];
	s1 =	srdreg.scid  }
0x2: {  	s8 =	stileid.u32;
	s9 =	rddreg [dreg:$0x1];
	s2 =	simm.s32 $0x0  }
0x3: {  	s14 =	simm.s32 $0x5;
	s15 =	simm.s32 $0xC8;
	s16 =	simm.s32 $0x6400  }
0x4: {  	s17 =	simm.s32 $0x9600;
	s19 =	simm.s32 $0xC800;
	s20 =	simm.s32 $0x1  }
0x5: {  	s21 =	simm.s32 $0x258;
	s22 =	simm.s32 $0xFA00;
	s23 =	simm.s32 $0x2  }
0x6: {  	s1 =	sand.u32 $0x1, s1;
	s3 =	sshll.u32 s8, $0x1;
	s8 =	smul.u32 $0xC800, s8  }
0x7: {  	s4 =	sor.u32 s1, s3;
	s7 =	ssub.s32 $0x2, s1;
	s1 =	smul.u32 $0x6400, s1  }
0x8: {  	s24 =	simm.s32 $0x3;
	s25 =	simm.s32 $0x4;
	s3 =	smul.u32 $0xC80, s4  }
0x9: {  	s26 =	simm.s32 $0x0;
	[smem:$0x7FF] =	sst s2;
	s5 =	smul.u32 $0x190000, s4  }
0xa: {  	_ =	strace $0x80000047;
	s30 =	sshrl.u32 s7, $0x1;
	s31 =	smul.u32 $0x32000, s4  }
0xb: {  	s1 =	sadd.s32 s1, s8;
	s6 =	sadd.s32 s3, s0;
	s3 =	sadd.s32 $0xF42E00, s0  }
0xc: {  	s0 =	ssub.s32 s7, s30;
	s5 =	sshrl.u32 s5, $0x3;
	s1 =	sshll.u32 s1, $0x3  }
0xd: {  	s4 =	sadd.s32 $0xA00, s6;
	s10 =	sadd.s32 s9, s5;
	s5 =	sadd.s32 s9, s31  }
0xe: {  	s1 =	sadd.s32 s1, s9;
	s9 =	smax.u32 s0, $0x1;
	s6 =	sadd.s32 $0x30D40, s10  }
0xf: {  	s7 =	sadd.s32 $0x31380, s10;
	s8 =	sadd.s32 $0x319C0, s10;
	s10 =	sadd.s32 $0x12C0, s1  }
0x10: {  	s11 =	sadd.s32 $0xC80, s1;
	s12 =	sadd.s32 $0x640, s1;
	s13 =	sadd.s32 $0x1900, s1  }
.LBB2_1:
0x11: {  	[tilespmem:s2], [sflag:$0x5] =	stream.linear.gather [hbm4b:s4+s2], $0x6400, $0x38;
	[tilespmem:$0x12C00] =	vst v63  }
0x12: {  	_ =	swait.ge [sflag:s14], $0x6400  }
0x13: {  	[sflag:s14] =	ssyncset.done $0x0  }
0x14: {  	[sflag:s14] =	ssyncadd.s32 $0xFFFF9C00  }
0x15: {  	[tilespmem:s16], [sflag:$0x1] =	stream.indirect.gather [hbm4b:s3+s15], $0x40, s2, s15, $0xb8;
	[tilespmem:$0x12C00] =	vst v63  }
0x16: {  	_ = 	snop  }
0x17: {  	[tilespmem:s17], [sflag:$0x2] =	stream.indirect.gather [hbm4b:s3+s15], $0x40, s15, s15, $0xb8;
	[tilespmem:$0x12C00] =	vst v63  }
0x18: {  	s0 =	simm.s32 $0x190  }
0x19: {  	[tilespmem:s19], [sflag:$0x3] =	stream.indirect.gather [hbm4b:s3+s15], $0x40, s0, s15, $0xb8;
	[tilespmem:$0x12C00] =	vst v63  }
0x1a: {  	_ =	swait.ge [sflag:s20], $0x3200  }
0x1b: {  	[sflag:s20] =	ssyncset.done $0x0  }
0x1c: {  	[sflag:s20] =	ssyncadd.s32 $0xFFFFCE00  }
0x1d: {  	[hbm4b:s5+s2] =	stream.linear.scatter [tilespmem:s16], [sflag:$0x1], $0x3200, $0x38;
	[tilespmem:$0x12C00] =	vst v63  }
0x1e: {  	_ = 	snop  }
0x1f: {  	[tilespmem:s22], [sflag:$0x4] =	stream.indirect.gather [hbm4b:s3+s15], $0x40, s21, s15, $0xb8;
	[tilespmem:$0x12C00] =	vst v63  }
0x20: {  	_ =	swait.ge [sflag:s23], $0x3200  }
0x21: {  	[sflag:s23] =	ssyncset.done $0x0  }
0x22: {  	[sflag:s23] =	ssyncadd.s32 $0xFFFFCE00  }
0x23: {  	[hbm4b:s12+s2] =	stream.linear.scatter [tilespmem:s17], [sflag:$0x2], $0x3200, $0x38;
	[tilespmem:$0x12C00] =	vst v63  }
0x24: {  	_ =	swait.ge [sflag:s20], $0x3200  }
0x25: {  	[sflag:s20] =	ssyncset.done $0x0  }
0x26: {  	s18 =	simm.s32 $0x320;
	[sflag:s20] =	ssyncadd.s32 $0xFFFFCE00  }
0x27: {  	[tilespmem:s16], [sflag:$0x1] =	stream.indirect.gather [hbm4b:s3+s15], $0x40, s18, s15, $0xb8;
	[tilespmem:$0x12C00] =	vst v63  }
0x28: {  	_ =	swait.ge [sflag:s24], $0x3200  }
0x29: {  	[sflag:s24] =	ssyncset.done $0x0  }
0x2a: {  	[sflag:s24] =	ssyncadd.s32 $0xFFFFCE00  }
0x2b: {  	[hbm4b:s11+s2] =	stream.linear.scatter [tilespmem:s19], [sflag:$0x3], $0x3200, $0x38;
	[tilespmem:$0x12C00] =	vst v63  }
0x2c: {  	_ =	swait.ge [sflag:s23], $0x3200  }
0x2d: {  	[sflag:s23] =	ssyncset.done $0x0  }
0x2e: {  	s1 =	simm.s32 $0x3E8;
	[sflag:s23] =	ssyncadd.s32 $0xFFFFCE00  }
0x2f: {  	[tilespmem:s17], [sflag:$0x2] =	stream.indirect.gather [hbm4b:s3+s15], $0x40, s1, s15, $0xb8;
	[tilespmem:$0x12C00] =	vst v63  }
0x30: {  	_ =	swait.ge [sflag:s25], $0x3200  }
0x31: {  	[sflag:s25] =	ssyncset.done $0x0  }
0x32: {  	[sflag:s25] =	ssyncadd.s32 $0xFFFFCE00  }
0x33: {  	[hbm4b:s10+s2] =	stream.linear.scatter [tilespmem:s22], [sflag:$0x4], $0x3200, $0x38;
	[tilespmem:$0x12C00] =	vst v63  }
0x34: {  	_ =	swait.ge [sflag:s24], $0x3200  }
0x35: {  	[sflag:s24] =	ssyncset.done $0x0  }
0x36: {  	s18 =	simm.s32 $0x4B0;
	[sflag:s24] =	ssyncadd.s32 $0xFFFFCE00  }
0x37: {  	[tilespmem:s19], [sflag:$0x3] =	stream.indirect.gather [hbm4b:s3+s15], $0x40, s18, s15, $0xb8;
	[tilespmem:$0x12C00] =	vst v63  }
0x38: {  	_ =	swait.ge [sflag:s20], $0x3200  }
0x39: {  	[sflag:s20] =	ssyncset.done $0x0  }
0x3a: {  	[sflag:s20] =	ssyncadd.s32 $0xFFFFCE00  }
0x3b: {  	[hbm4b:s13+s2] =	stream.linear.scatter [tilespmem:s16], [sflag:$0x1], $0x3200, $0x38;
	[tilespmem:$0x12C00] =	vst v63  }
0x3c: {  	s28 =	simm.s32 $0xC80;
	s29 =	sadd.s32 $0x1900, s13;
	_ =	swait.ge [sflag:s25], $0x3200  }
0x3d: {  	s30 =	sadd.s32 $0x1900, s11;
	s31 =	sadd.s32 $0x1900, s12;
	[sflag:s25] =	ssyncset.done $0x0  }
0x3e: {  	s0 =	simm.s32 $0x578;
	s1 =	sadd.s32 $0x1900, s10;
	[sflag:s25] =	ssyncadd.s32 $0xFFFFCE00  }
.LBB2_2:
0x3f: {  	[tilespmem:s22], [sflag:$0x4] =	stream.indirect.gather [hbm4b:s3+s15], $0x40, s0, s15, $0xb8;
	[tilespmem:$0x12C00] =	vst v63  }
0x40: {  	s0 =	smov.u32 s28  }
0x41: {  	p0 =	sne.s32 s28, $0x17700;
	s28 =	sadd.s32 $0xC80, s28;
	_ =	swait.ge [sflag:s23], $0x3200  }
0x42: {  	[sflag:s23] =	ssyncset.done $0x0  }
0x43: {  	[sflag:s23] =	ssyncadd.s32 $0xFFFFCE00  }
0x44: {  	[hbm4b:s31+s2] =	stream.linear.scatter [tilespmem:s17], [sflag:$0x2], $0x3200, $0x38;
	[tilespmem:$0x12C00] =	vst v63  }
0x45: {  	_ =	swait.ge [sflag:s20], $0x3200  }
0x46: {  	s0 =	sshra.s32 s0, $0x2;
	[sflag:s20] =	ssyncset.done $0x0  }
0x47: {  	s18 =	sadd.s32 $0x320, s0;
	[sflag:s20] =	ssyncadd.s32 $0xFFFFCE00  }
0x48: {  	[tilespmem:s16], [sflag:$0x1] =	stream.indirect.gather [hbm4b:s3+s15], $0x40, s18, s15, $0xb8;
	[tilespmem:$0x12C00] =	vst v63  }
0x49: {  	_ =	swait.ge [sflag:s24], $0x3200  }
0x4a: {  	[sflag:s24] =	ssyncset.done $0x0  }
0x4b: {  	[sflag:s24] =	ssyncadd.s32 $0xFFFFCE00  }
0x4c: {  	[hbm4b:s30+s2] =	stream.linear.scatter [tilespmem:s19], [sflag:$0x3], $0x3200, $0x38;
	[tilespmem:$0x12C00] =	vst v63  }
0x4d: {  	_ =	swait.ge [sflag:s23], $0x3200  }
0x4e: {  	[sflag:s23] =	ssyncset.done $0x0  }
0x4f: {  	s18 =	sadd.s32 $0x3E8, s0;
	[sflag:s23] =	ssyncadd.s32 $0xFFFFCE00  }
0x50: {  	[tilespmem:s17], [sflag:$0x2] =	stream.indirect.gather [hbm4b:s3+s15], $0x40, s18, s15, $0xb8;
	[tilespmem:$0x12C00] =	vst v63  }
0x51: {  	_ =	swait.ge [sflag:s25], $0x3200  }
0x52: {  	[sflag:s25] =	ssyncset.done $0x0  }
0x53: {  	[sflag:s25] =	ssyncadd.s32 $0xFFFFCE00  }
0x54: {  	[hbm4b:s1+s2] =	stream.linear.scatter [tilespmem:s22], [sflag:$0x4], $0x3200, $0x38;
	[tilespmem:$0x12C00] =	vst v63  }
0x55: {  	_ =	swait.ge [sflag:s24], $0x3200  }
0x56: {  	[sflag:s24] =	ssyncset.done $0x0  }
0x57: {  	s18 =	sadd.s32 $0x4B0, s0;
	[sflag:s24] =	ssyncadd.s32 $0xFFFFCE00  }
0x58: {  	[tilespmem:s19], [sflag:$0x3] =	stream.indirect.gather [hbm4b:s3+s15], $0x40, s18, s15, $0xb8;
	[tilespmem:$0x12C00] =	vst v63  }
0x59: {  	_ =	swait.ge [sflag:s20], $0x3200  }
0x5a: {  	[sflag:s20] =	ssyncset.done $0x0  }
.Ltmp0:
0x5b: {  	[sflag:s20] =	ssyncadd.s32 $0xFFFFCE00;
	(pc) =	sbr.rel @p0 .LBB2_2-.Ltmp0, $4  }
0x5c: {  	[hbm4b:s29+s2] =	stream.linear.scatter [tilespmem:s16], [sflag:$0x1], $0x3200, $0x38;
	[tilespmem:$0x12C00] =	vst v63  }
0x5d: {  	s29 =	sadd.s32 $0x1900, s29;
	_ =	swait.ge [sflag:s25], $0x3200  }
0x5e: {  	s31 =	sadd.s32 $0x1900, s31;
	s30 =	sadd.s32 $0x1900, s30;
	[sflag:s25] =	ssyncset.done $0x0  }
0x5f: {  	s0 =	sadd.s32 $0x578, s0;
	s1 =	sadd.s32 $0x1900, s1;
	[sflag:s25] =	ssyncadd.s32 $0xFFFFCE00  }
0x60: {  	[tilespmem:s22], [sflag:$0x4] =	stream.indirect.gather [hbm4b:s3+s15], $0x40, s0, s15, $0xb8;
	[tilespmem:$0x12C00] =	vst v63  }
0x61: {  	_ =	swait.ge [sflag:s23], $0x3200  }
0x62: {  	[sflag:s23] =	ssyncset.done $0x0  }
0x63: {  	[sflag:s23] =	ssyncadd.s32 $0xFFFFCE00  }
0x64: {  	[hbm4b:s6+s2] =	stream.linear.scatter [tilespmem:s17], [sflag:$0x2], $0x3200, $0x38;
	[tilespmem:$0x12C00] =	vst v63  }
0x65: {  	_ =	swait.ge [sflag:s24], $0x3200  }
0x66: {  	[sflag:s24] =	ssyncset.done $0x0  }
0x67: {  	[sflag:s24] =	ssyncadd.s32 $0xFFFFCE00  }
0x68: {  	[hbm4b:s7+s2] =	stream.linear.scatter [tilespmem:s19], [sflag:$0x3], $0x3200, $0x38;
	[tilespmem:$0x12C00] =	vst v63  }
0x69: {  	_ =	swait.ge [sflag:s25], $0x3200  }
0x6a: {  	[sflag:s25] =	ssyncset.done $0x0  }
0x6b: {  	[sflag:s25] =	ssyncadd.s32 $0xFFFFCE00  }
0x6c: {  	[hbm4b:s8+s2] =	stream.linear.scatter [tilespmem:s22], [sflag:$0x4], $0x3200, $0x38;
	[tilespmem:$0x12C00] =	vst v63  }
0x6d: {  	_ =	swait.ge [sflag:s20], $0x3200  }
0x6e: {  	[sflag:s20] =	ssyncset.done $0x0  }
0x6f: {  	[sflag:s20] =	ssyncadd.s32 $0xFFFFCE00  }
0x70: {  	_ =	swait.ge [sflag:s23], $0x3200  }
0x71: {  	[sflag:s23] =	ssyncset.done $0x0  }
0x72: {  	s26 =	sadd.s32 $0x1, s26;
	[sflag:s23] =	ssyncadd.s32 $0xFFFFCE00  }
0x73: {  	p0 =	sne.s32 s26, s9;
	_ =	swait.ge [sflag:s24], $0x3200  }
.Ltmp1:
0x74: {  	[sflag:s24] =	ssyncset.done $0x0;
	(pc) =	sbr.rel @p0 .LBB2_1-.Ltmp1, $4  }
0x75: {  	[sflag:s24] =	ssyncadd.s32 $0xFFFFCE00  }
0x76: {  	_ =	swait.ge [sflag:s25], $0x3200  }
0x77: {  	[sflag:s25] =	ssyncset.done $0x0  }
0x78: {  	[sflag:s25] =	ssyncadd.s32 $0xFFFFCE00  }
0x79: {  	_ =	sfence.sel $0x180000  }
0x7a: {  	[bflag:$0x0] =	sbarrier.arrive $0xFFFF  }
0x7b: {  	_ =	strace $0x90000047  }
0x7c: {  	s0 =	stileid.u32;
	[bflag:$0x2] =	sbarrier.arrive $0xFFFF  }
0x7d: {  	p0 =	sne.s32 s0, $0x0;
	s0 =	rddreg [dreg:$0x2]  }
0x7e: {  	s0 =	sadd.s32 @!p0 $0x100000, s0  }
0x7f: {  	[sflag:s0] =	ssyncadd.tile.s32 @!p0 $0x1;
	_ =	shalt  }
.Lfunc_end2:
_tile_overlayer_lowered:
.L_overlay_start_2:
0x80: {  	(tag) =	ssettag $0x2  }
0x81: {  	s0 =	rddreg [dreg:$0x0];
	s2 =	stileid.u32  }
0x82: {  	s1 =	rddreg [dreg:$0x1];
	p0 =	sne.s32 s2, $0x0  }
0x83: {  	s3 =	rddreg [dreg:$0x2];
	[bflag:$0x3] =	sbarrier.arrive $0xFFFF;
	s2 =	simm.s32 @!p0 $0x1C05  }
0x84: {  	[timem:s3], [sflag:s2] =	dma.local @!p0 [hbm:s0], s1  }
0x85: {  	s0 =	simm.s32 @!p0 $0x5  }
0x86: {  	_ =	swait.ge @!p0 [sflag:s0], s1  }
0x87: {  	s1 =	ssub.s32 @!p0 $0x0, s1;
	[sflag:s0] =	ssyncset.done @!p0 $0x0  }
0x88: {  	[sflag:s0] =	ssyncadd.s32 @!p0 s1  }
0x89: {  	[bflag:$0x3] =	sbarrier.arrive $0xFFFF  }
0x8a: {  	_ =	shalt  }

// kernel: sparse-core-data-format-call.cloned.1.call-start
scs
called_computation_lowered:
.L_overlay_start_0:
0x0: {  	s2 =	sld [smem:$0x3FD9]  }
0x1: {  	s3 =	sld [smem:$0x3FFE];
	_ =	sdelay $0x1  }
0x2: {  	s1 =	srdreg.scid  }
0x3: {  	s0 =	sand.u32 $0x1, s1  }
0x4: {  	s18 =	sshll.u32 s0, $0xA;
	s2 =	sadd.s32 s3, s2  }
0x5: {  	s2 =	sadd.s32 s2, s18  }
0x6: {  	[smem:$0x3FC6] =	sst s2  }
0x7: {  	_ = 	snop  }
0x8: {  	s2 =	sld [smem:$0x3FD0];
	(tm) =	ssettm $0x1  }
0x9: {  	s19 =	sld [smem:$0x3FFB];
	_ =	sdelay $0x3  }
0xa: {  	_ =	strace s19  }
0xb: {  	s3 =	sld [smem:$0x3FFC];
	_ =	sdelay $0x3  }
0xc: {  	_ =	strace s3  }
0xd: {  	s3 =	sld [smem:$0x3FFD];
	_ =	sdelay $0x3  }
0xe: {  	_ =	strace s3  }
0xf: {  	_ =	strace $0x8FFFFFFF  }
0x10: {  	s20 =	sld [smem:$0x3FDB];
	_ =	sdelay $0x1  }
0x11: {  	s4 =	simm.s32 $_scs_section_size  }
0x12: {  	s5 =	simm.s32 $_size__tile_overlayer_lowered;
	s6 =	simm.s32 $_tile_overlayer_lowered  }
0x13: {  	s23 =	simm.s32 $0x1BFF;
	s22 =	sshll.u32 s6, $0x1;
	s3 =	sadd.s32 s4, s20  }
0x14: {  	s7 =	simm.s32 $0x0;
	s21 =	sshll.u32 s5, $0x1;
	s5 =	sadd.s32 s22, s3  }
0x15: {  	[timem:s7], [sflag:s23] =	dma.local [hbm:s5], s21  }
0x16: {  	_ =	swait.ge [sflag:s23], s21  }
0x17: {  	s4 =	ssub.s32 $0x0, s21;
	[sflag:s23] =	ssyncset.done $0x0  }
0x18: {  	[sflag:s23] =	ssyncadd.s32 s4;
	_ =	sdelay $0x1  }
0x19: {  	s24 =	simm.s32 $0x1B8B  }
0x1a: {  	_ =	swait.ge [sflag:s24], $0x1  }
0x1b: {  	[sflag:s24] =	ssyncset.done $0x0  }
0x1c: {  	s26 =	simm.s32 $0x1B8E;
	s25 =	sld [smem:$0x3FFE];
	[sflag:s24] =	ssyncadd.s32 $0xFFFFFFFF  }
0x1d: {  	s27 =	simm.s32 $execute0_lowered;
	[smem:$0x3FD2] =	sst s26  }
0x1e: {  	s5 =	sshll.u32 s27, $0x1;
	_ =	strace $0x80000049;
	[dreg:$0x1] =	wrdreg $0xFFFFFFFF  }
0x1f: {  	s28 =	simm.s32 $_size_execute0_lowered;
	s3 =	sadd.s32 s3, s5;
	[dreg:$0x0] =	wrdreg $0x0  }
0x20: {  	s5 =	sshll.u32 s28, $0x1;
	[dreg:$0x2] =	wrdreg s3  }
0x21: {  	[dreg:$0x3] =	wrdreg s5  }
0x22: {  	[dreg:$0x4] =	wrdreg $0xC0  }
0x23: {  	_ =	task [dreg:s7], $0x5FFFF  }
0x24: {  	[dreg:$0x1] =	wrdreg $0xFFFFFFFF  }
0x25: {  	[dreg:$0x0] =	wrdreg $0x60  }
0x26: {  	[dreg:$0x2] =	wrdreg s25  }
0x27: {  	[dreg:$0x3] =	wrdreg s2  }
0x28: {  	[dreg:$0x4] =	wrdreg $0x9  }
0x29: {  	_ =	task.clear_ibuf [dreg:s7], $0x5FFFF;
	_ =	strace $0x90000049  }
0x2a: {  	s29 =	simm.s32 $0x9;
	_ =	strace $0x8000004B  }
0x2b: {  	_ =	swait.ge [sflag:s29], $0x1  }
0x2c: {  	[sflag:s29] =	ssyncadd.s32 $0xFFFFFFFF  }
0x2d: {  	_ =	strace $0x9000004B  }
0x2e: {  	_ =	sfence  }
0x2f: {  	s30 =	sld [smem:$0x0];
	_ =	sdelay $0x2  }
0x30: {  	s31 =	sshll.u32 s1, $0xD;
	s1 =	sshrl.u32 s1, $0x2  }
0x31: {  	s3 =	sand.u32 $0x4000, s31;
	s1 =	sadd.s32 s1, s30  }
0x32: {  	s0 =	sor.u32 s3, s0;
	s1 =	sshll.u32 s1, $0x11  }
0x33: {  	s0 =	sor.u32 s1, s0  }
0x34: {  	s0 =	sadd.s32 $0x8F2B, s0  }
0x35: {  	[sflag:s0] =	ssyncadd.remote.s32 $0x1  }
0x36: {  	_ =	sfence.sel $0xFFFF  }
0x37: {  	[dreg:$0x0] =	wrdreg $0xFFFFFFFF;
	(pc) =	sbr.abs _section_cstart, $3  }
0x38: {  	[dreg:$0x1] =	wrdreg $0xFFFFFFFF  }
0x39: {  	_ =	task.clear_ibuf [dreg:s7], $0x2FFFF;
	_ =	strace $0x9FFFFFFF  }
0x3a: {  	(tm) =	ssettm $0x7FFFFFFF  }
0x3b: {  	_ =	shalt  }
tec
execute0_lowered:
.L_overlay_start_1:
0x0: {  	(tag) =	ssettag $0x1  }
0x1: {  	s0 =	srdreg.scid  }
0x2: {  	s1 =	sshll.u32 s0, $0x4  }
0x3: {  	s4 =	rddreg [dreg:$0x0];
	s0 =	stileid.u32;
	s1 =	sand.u32 $0x10, s1  }
0x4: {  	s2 =	rddreg [dreg:$0x1];
	s7 =	simm.s32 $0x1;
	s1 =	sor.u32 s0, s1  }
0x5: {  	s8 =	simm.s32 $0x2;
	s11 =	simm.s32 $0x0;
	s3 =	sshll.u32 s1, $0x7  }
0x6: {  	s10 =	simm.s32 $0x0;
	s4 =	sadd.s32 $0xA00, s4;
	s6 =	ssub.s32 $0xC8000, s3  }
.Ltmp0:
0x7: {  	s1 =	rddreg [dreg:$0x2];
	s5 =	sand.u32 $0xF80, s6;
	(pc) =	sbr.rel .LBB1_1-.Ltmp0, $4  }
0x8: {  	_ =	strace $0x8000004A;
	s9 =	smov.u32 s3;
	p0 =	sne.s32 s5, $0x0  }
0x9: {  	s6 =	sshrl.u32 s6, $0xC;
	s5 =	simm.s32 $0x1;
	s7 =	simm.s32 @!p0 $0x0  }
0xa: {  	[sflag:s5] =	ssyncpa.u1 $0x0;
	p0 =	por $0x0, $0x0;
	s6 =	sadd.s32 s7, s6  }
0xb: {  	[sflag:s8] =	ssyncpa.u1 $0x0;
	s8 =	simm.s32 $0x640000;
	s7 =	sadd.s32 $0x1, s6  }
.LBB1_4:
0xc: {  	s14 =	sshll.u32 s11, $0x3  }
0xd: {  	s30 =	sand.u32 $0x7F, s11;
	s15 =	sand.u32 $0xFFFFFC00, s14  }
0xe: {  	s11 =	sor.u32 s30, s15  }
0xf: {  	s15 =	smulhi.u32 $0x51EB851F, s11  }
0x10: {  	s14 =	smulhi.u32 $0x51EB851F, s14  }
0x11: {  	s15 =	sshrl.u32 s15, $0x12  }
0x12: {  	s14 =	sshrl.u32 s14, $0x12;
	s15 =	smul.u32 $0xC8000, s15  }
0x13: {  	s14 =	sand.u32 $0x3F, s14  }
0x14: {  	s14 =	smul.u32 $0x19000, s14;
	s11 =	ssub.s32 s11, s15  }
0x15: {  	[tilespmem:s13+$0x810 ss:$0x81] =	vst.msk $0xffff, v2;
	s15 =	sand.u32 $0x7, s11  }
0x16: {  	[tilespmem:s13+$0x1020 ss:$0x81] =	vst.msk $0xffff, v0;
	s14 =	sadd.s32 s2, s14;
	s11 =	sshrl.u32 s11, $0x3;
	s15 =	sshll.u32 s15, $0x12  }
0x17: {  	[tilespmem:s13+$0x0 ss:$0x81] =	vst.msk $0xffff, v1;
	s11 =	sadd.s32 s11, s14;
	s31 =	sor.u32 $0x400, s15  }
0x18: {  	[hbm4b:s11+s31] =	stream.strided.scatter [tilespmem:s12], [sflag:$0x2], $0x2000, s8, s31, $0x20;
	[tilespmem:$0x8080] =	vst v63  }
.LBB1_5:
0x19: {  	s13 =	sadd.s32 $0x1000, s9  }
0x1a: {  	p2 =	sgt.s32 s13, $0xC7FFF  }
0x1b: {  	s13 =	smov.u32 @p2 s3;
	p2 =	sne.s32 s10, s7  }
.Ltmp1:
0x1c: {  	p1 =	slt.u32 s10, $0x2;
	(pc) =	sbr.rel @!p2 .LBB1_6-.Ltmp1, $4  }
0x1d: {  	s12 =	simm.s32 @!p1 $0x2  }
0x1e: {  	s14 =	sadd.s32 $0x1, s10;
	_ =	swait.ge @!p1 [sflag:s12], $0x2000  }
0x1f: {  	s11 =	smov.u32 s9;
	p0 =	por !p0, !p0;
	[sflag:s12] =	ssyncset.done @!p1 $0x0  }
0x20: {  	s10 =	smov.u32 s14;
	s9 =	smov.u32 s13;
	[sflag:s12] =	ssyncadd.s32 @!p1 $0xFFFFE000  }
.LBB1_1:
0x21: {  	p1 =	sge.u32 s10, s6  }
0x22: {  	s12 =	sand.u32 @!p1 $0x1FFFFFF, s9  }
0x23: {  	s13 =	smulhi.u32 @!p1 $0x147AE15, s12;
	_ =	sdelay $0x1  }
0x24: {  	s13 =	sshrl.u32 @!p1 s13, $0xC  }
0x25: {  	s13 =	smul.u32 @!p1 $0xC8000, s13;
	_ =	sdelay $0x1  }
0x26: {  	s31 =	sadd.s32 $0xFFFFFFFF, s10;
	s14 =	sxor.u32 @!p1 $0xFFFFFFFF, s10;
	s12 =	ssub.s32 @!p1 s12, s13  }
0x27: {  	s15 =	simm.s32 @!p1 $0x80;
	s14 =	sshll.u32 @!p1 s14, $0xD;
	s12 =	sshll.u32 @!p1 s12, $0x4  }
0x28: {  	s13 =	sand.u32 @!p1 $0x2000, s14;
	s14 =	simm.s32 @!p1 $0x40;
	s12 =	sadd.s32 @!p1 s4, s12  }
0x29: {  	[tilespmem:s13], [sflag:$0x1] =	stream.strided.gather @!p1 [hbm4b:s12+s14], $0x2000, s15, s14, $0x38;
	[tilespmem:$0x8080] =	vst v63  }
0x2a: {  	p1 =	sge.u32 s31, s6  }
.Ltmp2:
0x2b: {  	_ = 	snop;
	(pc) =	sbr.rel @p1 .LBB1_5-.Ltmp2, $1  }
0x2c: {  	_ =	sdelay $0x3  }
0x2d: {  	s12 =	simm.s32 $0x1  }
0x2e: {  	_ =	swait.ge [sflag:s5], $0x2000;
	s12 =	simm.s32 @!p0 $0x0  }
0x2f: {  	[sflag:s5] =	ssyncset.done $0x0;
	s13 =	sshll.u32 s12, $0xD  }
0x30: {  	[sflag:s5] =	ssyncadd.s32 $0xFFFFE000;
	s16 =	sor.u32 $0x20, s13  }
0x31: {  	s12 =	smul.u32 $0x8100, s12;
	v3 =	vld [tilespmem:s16+$0x10]  }
0x32: {  	s30 =	sand.u32 $0x1, s10;
	v2 =	vld [tilespmem:s16+$0xFFFFFFF0]  }
0x33: {  	s13 =	smul.u32 $0x8100, s30;
	s12 =	sshrl.u32 s12, $0x2;
	v0 =	vld [tilespmem:s16+$0x0]  }
0x34: {  	v1 =	vld [tilespmem:s16+$0xFFFFFFE0];
	s14 =	sor.u32 $0x4000, s12  }
0x35: {  	s31 =	sshrl.u32 s13, $0x2;
	s13 =	sadd.s32 $0x0, s14  }
0x36: {  	s15 =	simm.s32 $0x4;
	s16 =	sadd.s32 $0x40, s16;
	s12 =	sor.u32 $0x4000, s31;
	[tilespmem:s13+$0x1830 ss:$0x81] =	vst.msk $0xffff, v3  }
.LBB1_3:
0x37: {  	v3 =	vld [tilespmem:s16+$0x10];
	p1 =	sne.s32 s15, $0x1FC;
	[tilespmem:s13+$0x810 ss:$0x81] =	vst.msk $0xffff, v2;
	s17 =	smov.u32 s15;
	s15 =	sadd.s32 $0x4, s15  }
.Ltmp3:
0x38: {  	v2 =	vld [tilespmem:s16+$0xFFFFFFF0];
	[tilespmem:s13+$0x1020 ss:$0x81] =	vst.msk $0xffff, v0;
	(pc) =	sbr.rel @p1 .LBB1_3-.Ltmp3, $4  }
0x39: {  	v0 =	vld [tilespmem:s16+$0x0];
	[tilespmem:s13+$0x0 ss:$0x81] =	vst.msk $0xffff, v1  }
0x3a: {  	s13 =	sshra.s32 s17, $0x2;
	v1 =	vld [tilespmem:s16+$0xFFFFFFE0]  }
0x3b: {  	s13 =	sadd.s32 s13, s14  }
0x3c: {  	s16 =	sadd.s32 $0x40, s16;
	[tilespmem:s13+$0x1830 ss:$0x81] =	vst.msk $0xffff, v3  }
.Ltmp4:
0x3d: {  	_ = 	snop;
	(pc) =	sbr.rel .LBB1_4-.Ltmp4, $1  }
0x3e: {  	_ =	sdelay $0x3  }
.LBB1_6:
0x3f: {  	_ =	sfence.sel $0x180000  }
0x40: {  	s2 =	simm.s32 $0x1;
	[bflag:$0x0] =	sbarrier.arrive $0xFFFF  }
0x41: {  	s31 =	simm.s32 $0x2;
	[sflag:s2] =	ssyncpa.u1 $0x1  }
0x42: {  	[sflag:s31] =	ssyncpa.u1 $0x1  }
0x43: {  	p0 =	sne.s32 s0, $0x0;
	_ =	strace $0x9000004A  }
0x44: {  	s0 =	sadd.s32 @!p0 $0x100000, s1;
	[bflag:$0x2] =	sbarrier.arrive $0xFFFF  }
0x45: {  	[sflag:s0] =	ssyncadd.tile.s32 @!p0 $0x1;
	_ =	shalt  }
.Lfunc_end1:
_tile_overlayer_lowered:
.L_overlay_start_2:
0x46: {  	(tag) =	ssettag $0x2  }
0x47: {  	s0 =	rddreg [dreg:$0x0];
	s2 =	stileid.u32  }
0x48: {  	s1 =	rddreg [dreg:$0x1];
	p0 =	sne.s32 s2, $0x0  }
0x49: {  	s3 =	rddreg [dreg:$0x2];
	[bflag:$0x3] =	sbarrier.arrive $0xFFFF;
	s2 =	simm.s32 @!p0 $0x1C01  }
0x4a: {  	[timem:s3], [sflag:s2] =	dma.local @!p0 [hbm:s0], s1  }
0x4b: {  	s0 =	simm.s32 @!p0 $0x1  }
0x4c: {  	_ =	swait.ge @!p0 [sflag:s0], s1  }
0x4d: {  	s1 =	ssub.s32 @!p0 $0x0, s1;
	[sflag:s0] =	ssyncset.done @!p0 $0x0  }
0x4e: {  	[sflag:s0] =	ssyncadd.s32 @!p0 s1  }
0x4f: {  	[bflag:$0x3] =	sbarrier.arrive $0xFFFF  }
0x50: {  	_ =	shalt  }

</sc_bundles>
